<compile_context>
chip_gen: v7x
topology: tpu7x:2x2x1
jax: 0.10.2.dev20260603
libtpu: 0.0.44.dev20260713+nightly
codegen_flags: <defaults>
</compile_context>

<pallas_src>
import functools

import jax
import jax.numpy as jnp
from jax import lax
from jax.experimental import pallas as pl
from jax.experimental.pallas import tpu as pltpu
from jax.experimental.pallas import tpu_sc as plsc

D_MODEL = 128
VOCAB = 100000

_NC = 2
_NS = 16
_NW = _NC * _NS
_NBUF = 10
_CH = 64


def _gather(table, idx_t, batch, n_ctx):
    per_w = batch // _NW
    mesh = plsc.VectorSubcoreMesh(core_axis_name="c", subcore_axis_name="s")

    @functools.partial(
        pl.kernel,
        mesh=mesh,
        out_type=jax.ShapeDtypeStruct((n_ctx, batch, D_MODEL), jnp.float32),
        scratch_types=(
            [pltpu.VMEM((n_ctx, per_w), jnp.int32)]
            + [pltpu.VMEM((_CH, D_MODEL), jnp.float32)] * _NBUF
            + [pltpu.SemaphoreType.DMA] * (2 * _NBUF)
        ),
    )
    def k(table_hbm, idx_hbm, out_hbm, idx_v, *bufs_and_sems):
        rows = bufs_and_sems[:_NBUF]
        gsems = bufs_and_sems[_NBUF:2 * _NBUF]
        wsems = bufs_and_sems[2 * _NBUF:]
        wid = lax.axis_index("s") * _NC + lax.axis_index("c")
        c0 = wid * per_w
        pltpu.sync_copy(idx_hbm.at[:, pl.ds(c0, per_w)], idx_v)

        def drain_write(i):
            pltpu.make_async_copy(
                rows[i], out_hbm.at[0, pl.ds(c0, _CH)], wsems[i]).wait()

        steps_per_col = per_w // _CH
        rounds = n_ctx * steps_per_col // _NBUF

        def body(r, carry):
            for i in range(_NBUF):
                s = r * _NBUF + i
                p, h = s // steps_per_col, s % steps_per_col

                @pl.when(r >= 1)
                def _(i=i):
                    drain_write(i)

                pltpu.async_copy(
                    table_hbm.at[idx_v.at[p, pl.ds(h * _CH, _CH)]], rows[i],
                    gsems[i])
            for i in range(_NBUF):
                s = r * _NBUF + i
                p, h = s // steps_per_col, s % steps_per_col
                pltpu.make_async_copy(
                    table_hbm.at[idx_v.at[p, pl.ds(h * _CH, _CH)]], rows[i],
                    gsems[i]).wait()
                pltpu.async_copy(
                    rows[i], out_hbm.at[p, pl.ds(c0 + h * _CH, _CH)],
                    wsems[i])
            return carry

        lax.fori_loop(0, rounds, body, 0)
        for i in range(_NBUF):
            drain_write(i)

    return k(table, idx_t)


def kernel(x, W_E):
    b, p = x.shape
    table = jnp.swapaxes(W_E, 0, 1)
    idx_t = jnp.swapaxes(x, 0, 1).astype(jnp.int32)
    out_t = _gather(table, idx_t, b, p)
    return jnp.transpose(out_t, (1, 0, 2))

# --- scband reference (transcript-rebuilt; emitter-appended) ---
"""Pipeline reference for scband-embed-2757369004317 (READ-ONLY COPY).

The authoritative reference and input builder live on the scoring server;
editing this copy changes nothing except your own understanding.
"""

import jax, jax.numpy as jnp
import numpy as np

D_VOCAB = 100000
D_MODEL = 128
BATCH = 4096
N_CTX = 50

def setup_inputs(seed: int = 0) -> dict:
    key = jax.random.key(seed)
    k1, k2 = jax.random.split(key)
    x = jax.random.randint(k1, (BATCH, N_CTX), 0, D_VOCAB, dtype=jnp.int64 if jax.config.jax_enable_x64 else jnp.int32)
    W_E = jax.random.normal(k2, (D_MODEL, D_VOCAB), dtype=jnp.float32) / np.sqrt(D_MODEL)
    return {"x": x, "W_E": W_E}

def reference(x, W_E):
    # torch: torch.einsum('dbp -> bpd', self.W_E[:, x])
    # W_E[:, x] has shape (d_model, batch, n_ctx); transpose to (batch, n_ctx, d_model)
    gathered = jnp.take(W_E, x, axis=1)  # (d_model, batch, n_ctx)
    return jnp.transpose(gathered, (1, 2, 0))

if __name__ == "__main__":
    import jax
    _d = setup_inputs()
    print(jax.jit(kernel)(*tuple(_d.values())))

</pallas_src>

<mosaic_0001>
#map = affine_map<(d0, d1) -> (0, 0)>
#map1 = affine_map<(d0, d1) -> (0, 0, 0)>
module attributes {stable_mosaic.version = 14 : i64} {
  func.func @k(%arg0: i32, %arg1: i32, %arg2: memref<100000x128xf32, #tpu.memory_space<hbm>>, %arg3: memref<50x4096xi32, #tpu.memory_space<hbm>>, %arg4: memref<50x4096x128xf32, #tpu.memory_space<hbm>>, %arg5: memref<50x128xi32, #tpu.memory_space<vmem>>, %arg6: memref<64x128xf32, #tpu.memory_space<vmem>>, %arg7: memref<64x128xf32, #tpu.memory_space<vmem>>, %arg8: memref<64x128xf32, #tpu.memory_space<vmem>>, %arg9: memref<64x128xf32, #tpu.memory_space<vmem>>, %arg10: memref<64x128xf32, #tpu.memory_space<vmem>>, %arg11: memref<64x128xf32, #tpu.memory_space<vmem>>, %arg12: memref<64x128xf32, #tpu.memory_space<vmem>>, %arg13: memref<64x128xf32, #tpu.memory_space<vmem>>, %arg14: memref<64x128xf32, #tpu.memory_space<vmem>>, %arg15: memref<64x128xf32, #tpu.memory_space<vmem>>, %arg16: memref<!tpu.dma_semaphore, #tpu.memory_space<semaphore_mem>>, %arg17: memref<!tpu.dma_semaphore, #tpu.memory_space<semaphore_mem>>, %arg18: memref<!tpu.dma_semaphore, #tpu.memory_space<semaphore_mem>>, %arg19: memref<!tpu.dma_semaphore, #tpu.memory_space<semaphore_mem>>, %arg20: memref<!tpu.dma_semaphore, #tpu.memory_space<semaphore_mem>>, %arg21: memref<!tpu.dma_semaphore, #tpu.memory_space<semaphore_mem>>, %arg22: memref<!tpu.dma_semaphore, #tpu.memory_space<semaphore_mem>>, %arg23: memref<!tpu.dma_semaphore, #tpu.memory_space<semaphore_mem>>, %arg24: memref<!tpu.dma_semaphore, #tpu.memory_space<semaphore_mem>>, %arg25: memref<!tpu.dma_semaphore, #tpu.memory_space<semaphore_mem>>, %arg26: memref<!tpu.dma_semaphore, #tpu.memory_space<semaphore_mem>>, %arg27: memref<!tpu.dma_semaphore, #tpu.memory_space<semaphore_mem>>, %arg28: memref<!tpu.dma_semaphore, #tpu.memory_space<semaphore_mem>>, %arg29: memref<!tpu.dma_semaphore, #tpu.memory_space<semaphore_mem>>, %arg30: memref<!tpu.dma_semaphore, #tpu.memory_space<semaphore_mem>>, %arg31: memref<!tpu.dma_semaphore, #tpu.memory_space<semaphore_mem>>, %arg32: memref<!tpu.dma_semaphore, #tpu.memory_space<semaphore_mem>>, %arg33: memref<!tpu.dma_semaphore, #tpu.memory_space<semaphore_mem>>, %arg34: memref<!tpu.dma_semaphore, #tpu.memory_space<semaphore_mem>>, %arg35: memref<!tpu.dma_semaphore, #tpu.memory_space<semaphore_mem>>) attributes {dimension_semantics = [#tpu.dimension_semantics<core_parallel>, #tpu.dimension_semantics<subcore_parallel>], iteration_bounds = array<i64: 2, 16>, scalar_prefetch = 0 : i64, scratch_operands = 31 : i64, tpu.core_type = #tpu.core_type<sc_vector_subcore>, window_params = [{transform_indices = #map}, {transform_indices = #map}, {transform_indices = #map1}]} {
    %mul3A = arith.constant 2 : i32
    %mul3A_0 = arith.muli %arg1, %mul3A : i32
    %add3A = arith.addi %mul3A_0, %arg0 : i32
    %mul3A_1 = arith.constant 128 : i32
    %mul3A_2 = arith.muli %add3A, %mul3A_1 : i32
    "tpu.region"() ({
      %run_scoped3A = tpu.sem_alloc : memref<!tpu.dma_semaphore, #tpu.memory_space<semaphore_mem>>
      %dma_start3A = arith.constant 0 : i32
      %dma_start3A_77 = tpu.memref_slice %arg3[%dma_start3A, %mul3A_2] : memref<50x4096xi32, #tpu.memory_space<hbm>> -> memref<50x128xi32, #tpu.memory_space<hbm>>
      %dma_start3A_78 = arith.constant 0 : i32
      %dma_start3A_79 = tpu.memref_slice %arg3[%dma_start3A_78, %mul3A_2] : memref<50x4096xi32, #tpu.memory_space<hbm>> -> memref<50x128xi32, #tpu.memory_space<hbm>>
      tpu.enqueue_dma source(%dma_start3A_79 : memref<50x128xi32, #tpu.memory_space<hbm>>) target(%arg5 : memref<50x128xi32, #tpu.memory_space<vmem>>) target_semaphore(%run_scoped3A : memref<!tpu.dma_semaphore, #tpu.memory_space<semaphore_mem>>)
      %dma_wait3A_80 = arith.constant 0 : i32
      %dma_wait3A_81 = tpu.memref_slice %arg3[%dma_wait3A_80, %mul3A_2] : memref<50x4096xi32, #tpu.memory_space<hbm>> -> memref<50x128xi32, #tpu.memory_space<hbm>>
      %dma_wait3A_82 = arith.constant 0 : i32
      %dma_wait3A_83 = tpu.memref_slice %arg3[%dma_wait3A_82, %mul3A_2] : memref<50x4096xi32, #tpu.memory_space<hbm>> -> memref<50x128xi32, #tpu.memory_space<hbm>>
      tpu.wait_dma2 semaphore(%run_scoped3A : memref<!tpu.dma_semaphore, #tpu.memory_space<semaphore_mem>>) src(%dma_wait3A_83 : memref<50x128xi32, #tpu.memory_space<hbm>>) dst(%arg5 : memref<50x128xi32, #tpu.memory_space<vmem>>)
      tpu.yield
    }) : () -> ()
    %scan3A = arith.constant 0 : i32
    %scan3A_3 = arith.constant 0 : i32
    %scan3A_4 = arith.constant 10 : i32
    %scan3A_5 = arith.addi %scan3A_3, %scan3A_4 : i32
    %scan3A_6 = arith.constant 1 : i32
    scf.for %scan3A_77 = %scan3A_3 to %scan3A_5 step %scan3A_6  : i32 {
      %mul3A_78 = arith.constant 10 : i32
      %mul3A_79 = arith.muli %scan3A_77, %mul3A_78 : i32
      %add3A_80 = arith.constant 0 : i32
      %add3A_81 = arith.addi %mul3A_79, %add3A_80 : i32
      %jit3A = arith.constant 2 : i32
      %div3A = arith.divsi %add3A_81, %jit3A : i32
      %sign3A = arith.constant 0 : i32
      %sign3A_82 = arith.cmpi sgt, %add3A_81, %sign3A : i32
      %sign3A_83 = arith.extui %sign3A_82 : i1 to i32
      %sign3A_84 = arith.constant 0 : i32
      %sign3A_85 = arith.cmpi slt, %add3A_81, %sign3A_84 : i32
      %sign3A_86 = arith.extui %sign3A_85 : i1 to i32
      %sign3A_87 = arith.subi %sign3A_83, %sign3A_86 : i32
      %sign3A_88 = arith.constant 0 : i32
      %sign3A_89 = arith.cmpi sgt, %jit3A, %sign3A_88 : i32
      %sign3A_90 = arith.extui %sign3A_89 : i1 to i32
      %sign3A_91 = arith.constant 0 : i32
      %sign3A_92 = arith.cmpi slt, %jit3A, %sign3A_91 : i32
      %sign3A_93 = arith.extui %sign3A_92 : i1 to i32
      %sign3A_94 = arith.subi %sign3A_90, %sign3A_93 : i32
      %ne3A = arith.cmpi ne, %sign3A_87, %sign3A_94 : i32
      %rem3A = arith.remsi %add3A_81, %jit3A : i32
      %ne3A_95 = arith.constant 0 : i32
      %ne3A_96 = arith.cmpi ne, %rem3A, %ne3A_95 : i32
      %and3A = arith.andi %ne3A, %ne3A_96 : i1
      %sub3A = arith.constant 1 : i32
      %sub3A_97 = arith.subi %div3A, %sub3A : i32
      %select_n3A = arith.select %and3A, %sub3A_97, %div3A : i32
      %jit3A_98 = arith.constant 2 : i32
      %eq3A = arith.constant 0 : i32
      %eq3A_99 = arith.cmpi eq, %jit3A_98, %eq3A : i32
      %jit3A_100 = arith.constant 1 : i32
      %select_n3A_101 = arith.select %eq3A_99, %jit3A_100, %jit3A_98 : i32
      %rem3A_102 = arith.remsi %add3A_81, %select_n3A_101 : i32
      %ne3A_103 = arith.constant 0 : i32
      %ne3A_104 = arith.cmpi ne, %rem3A_102, %ne3A_103 : i32
      %lt3A = arith.constant 0 : i32
      %lt3A_105 = arith.cmpi slt, %rem3A_102, %lt3A : i32
      %lt3A_106 = arith.constant 0 : i32
      %lt3A_107 = arith.cmpi slt, %select_n3A_101, %lt3A_106 : i32
      %ne3A_108 = arith.xori %lt3A_105, %lt3A_107 : i1
      %and3A_109 = arith.andi %ne3A_108, %ne3A_104 : i1
      %add3A_110 = arith.addi %rem3A_102, %select_n3A_101 : i32
      %select_n3A_111 = arith.select %and3A_109, %add3A_110, %rem3A_102 : i32
      %ge3A = arith.constant 1 : i32
      %ge3A_112 = arith.cmpi sge, %scan3A_77, %ge3A : i32
      %convert_element_type3A = arith.extui %ge3A_112 : i1 to i32
      %cond3A = arith.constant 0 : i32
      %cond3A_113 = arith.cmpi ne, %convert_element_type3A, %cond3A : i32
      scf.if %cond3A_113 {
        %dma_wait3A_1224 = arith.constant 0 : i32
        %dma_wait3A_1225 = arith.constant 0 : i32
        %dma_wait3A_1226 = tpu.memref_slice %arg4[%dma_wait3A_1224, %mul3A_2, %dma_wait3A_1225] : memref<50x4096x128xf32, #tpu.memory_space<hbm>> -> memref<1x64x128xf32, #tpu.memory_space<hbm>>
        %dma_wait3A_1227 = tpu.memref_squeeze %dma_wait3A_1226 : memref<1x64x128xf32, #tpu.memory_space<hbm>> -> memref<64x128xf32, #tpu.memory_space<hbm>>
        %dma_wait3A_1228 = arith.constant 0 : i32
        %dma_wait3A_1229 = tpu.memref_slice %arg4[%dma_wait3A_1224, %mul3A_2, %dma_wait3A_1228] : memref<50x4096x128xf32, #tpu.memory_space<hbm>> -> memref<1x64x128xf32, #tpu.memory_space<hbm>>
        %dma_wait3A_1230 = tpu.memref_squeeze %dma_wait3A_1229 : memref<1x64x128xf32, #tpu.memory_space<hbm>> -> memref<64x128xf32, #tpu.memory_space<hbm>>
        tpu.wait_dma2 semaphore(%arg26 : memref<!tpu.dma_semaphore, #tpu.memory_space<semaphore_mem>>) src(%arg6 : memref<64x128xf32, #tpu.memory_space<vmem>>) dst(%dma_wait3A_1230 : memref<64x128xf32, #tpu.memory_space<hbm>>)
      } else {
      }
      %mul3A_114 = arith.constant 64 : i32
      %mul3A_115 = arith.muli %select_n3A_111, %mul3A_114 : i32
      %dma_start3A = tpu.memref_slice %arg5[%select_n3A, %mul3A_115] : memref<50x128xi32, #tpu.memory_space<vmem>> -> memref<1x64xi32, #tpu.memory_space<vmem>>
      %dma_start3A_116 = tpu.memref_squeeze %dma_start3A : memref<1x64xi32, #tpu.memory_space<vmem>> -> memref<64xi32, #tpu.memory_space<vmem>>
      %dma_start3A_117 = arith.constant 0 : i32
      %dma_start3A_118 = arith.constant 0 : i32
      %dma_start3A_119 = tpu.memref_slice %arg2[%dma_start3A_117, %dma_start3A_118] : memref<100000x128xf32, #tpu.memory_space<hbm>> -> memref<100000x128xf32, #tpu.memory_space<hbm>>
      tpu.enqueue_indirect_dma source(%dma_start3A_119 : memref<100000x128xf32, #tpu.memory_space<hbm>>) target(%arg6 : memref<64x128xf32, #tpu.memory_space<vmem>>) offsets(%dma_start3A_116 : memref<64xi32, #tpu.memory_space<vmem>>) semaphore(%arg16 : memref<!tpu.dma_semaphore, #tpu.memory_space<semaphore_mem>>)
      %mul3A_120 = arith.constant 10 : i32
      %mul3A_121 = arith.muli %scan3A_77, %mul3A_120 : i32
      %add3A_122 = arith.constant 1 : i32
      %add3A_123 = arith.addi %mul3A_121, %add3A_122 : i32
      %jit3A_124 = arith.constant 2 : i32
      %div3A_125 = arith.divsi %add3A_123, %jit3A_124 : i32
      %sign3A_126 = arith.constant 0 : i32
      %sign3A_127 = arith.cmpi sgt, %add3A_123, %sign3A_126 : i32
      %sign3A_128 = arith.extui %sign3A_127 : i1 to i32
      %sign3A_129 = arith.constant 0 : i32
      %sign3A_130 = arith.cmpi slt, %add3A_123, %sign3A_129 : i32
      %sign3A_131 = arith.extui %sign3A_130 : i1 to i32
      %sign3A_132 = arith.subi %sign3A_128, %sign3A_131 : i32
      %sign3A_133 = arith.constant 0 : i32
      %sign3A_134 = arith.cmpi sgt, %jit3A_124, %sign3A_133 : i32
      %sign3A_135 = arith.extui %sign3A_134 : i1 to i32
      %sign3A_136 = arith.constant 0 : i32
      %sign3A_137 = arith.cmpi slt, %jit3A_124, %sign3A_136 : i32
      %sign3A_138 = arith.extui %sign3A_137 : i1 to i32
      %sign3A_139 = arith.subi %sign3A_135, %sign3A_138 : i32
      %ne3A_140 = arith.cmpi ne, %sign3A_132, %sign3A_139 : i32
      %rem3A_141 = arith.remsi %add3A_123, %jit3A_124 : i32
      %ne3A_142 = arith.constant 0 : i32
      %ne3A_143 = arith.cmpi ne, %rem3A_141, %ne3A_142 : i32
      %and3A_144 = arith.andi %ne3A_140, %ne3A_143 : i1
      %sub3A_145 = arith.constant 1 : i32
      %sub3A_146 = arith.subi %div3A_125, %sub3A_145 : i32
      %select_n3A_147 = arith.select %and3A_144, %sub3A_146, %div3A_125 : i32
      %jit3A_148 = arith.constant 2 : i32
      %eq3A_149 = arith.constant 0 : i32
      %eq3A_150 = arith.cmpi eq, %jit3A_148, %eq3A_149 : i32
      %jit3A_151 = arith.constant 1 : i32
      %select_n3A_152 = arith.select %eq3A_150, %jit3A_151, %jit3A_148 : i32
      %rem3A_153 = arith.remsi %add3A_123, %select_n3A_152 : i32
      %ne3A_154 = arith.constant 0 : i32
      %ne3A_155 = arith.cmpi ne, %rem3A_153, %ne3A_154 : i32
      %lt3A_156 = arith.constant 0 : i32
      %lt3A_157 = arith.cmpi slt, %rem3A_153, %lt3A_156 : i32
      %lt3A_158 = arith.constant 0 : i32
      %lt3A_159 = arith.cmpi slt, %select_n3A_152, %lt3A_158 : i32
      %ne3A_160 = arith.xori %lt3A_157, %lt3A_159 : i1
      %and3A_161 = arith.andi %ne3A_160, %ne3A_155 : i1
      %add3A_162 = arith.addi %rem3A_153, %select_n3A_152 : i32
      %select_n3A_163 = arith.select %and3A_161, %add3A_162, %rem3A_153 : i32
      %ge3A_164 = arith.constant 1 : i32
      %ge3A_165 = arith.cmpi sge, %scan3A_77, %ge3A_164 : i32
      %convert_element_type3A_166 = arith.extui %ge3A_165 : i1 to i32
      %cond3A_167 = arith.constant 0 : i32
      %cond3A_168 = arith.cmpi ne, %convert_element_type3A_166, %cond3A_167 : i32
      scf.if %cond3A_168 {
        %dma_wait3A_1224 = arith.constant 0 : i32
        %dma_wait3A_1225 = arith.constant 0 : i32
        %dma_wait3A_1226 = tpu.memref_slice %arg4[%dma_wait3A_1224, %mul3A_2, %dma_wait3A_1225] : memref<50x4096x128xf32, #tpu.memory_space<hbm>> -> memref<1x64x128xf32, #tpu.memory_space<hbm>>
        %dma_wait3A_1227 = tpu.memref_squeeze %dma_wait3A_1226 : memref<1x64x128xf32, #tpu.memory_space<hbm>> -> memref<64x128xf32, #tpu.memory_space<hbm>>
        %dma_wait3A_1228 = arith.constant 0 : i32
        %dma_wait3A_1229 = tpu.memref_slice %arg4[%dma_wait3A_1224, %mul3A_2, %dma_wait3A_1228] : memref<50x4096x128xf32, #tpu.memory_space<hbm>> -> memref<1x64x128xf32, #tpu.memory_space<hbm>>
        %dma_wait3A_1230 = tpu.memref_squeeze %dma_wait3A_1229 : memref<1x64x128xf32, #tpu.memory_space<hbm>> -> memref<64x128xf32, #tpu.memory_space<hbm>>
        tpu.wait_dma2 semaphore(%arg27 : memref<!tpu.dma_semaphore, #tpu.memory_space<semaphore_mem>>) src(%arg7 : memref<64x128xf32, #tpu.memory_space<vmem>>) dst(%dma_wait3A_1230 : memref<64x128xf32, #tpu.memory_space<hbm>>)
      } else {
      }
      %mul3A_169 = arith.constant 64 : i32
      %mul3A_170 = arith.muli %select_n3A_163, %mul3A_169 : i32
      %dma_start3A_171 = tpu.memref_slice %arg5[%select_n3A_147, %mul3A_170] : memref<50x128xi32, #tpu.memory_space<vmem>> -> memref<1x64xi32, #tpu.memory_space<vmem>>
      %dma_start3A_172 = tpu.memref_squeeze %dma_start3A_171 : memref<1x64xi32, #tpu.memory_space<vmem>> -> memref<64xi32, #tpu.memory_space<vmem>>
      %dma_start3A_173 = arith.constant 0 : i32
      %dma_start3A_174 = arith.constant 0 : i32
      %dma_start3A_175 = tpu.memref_slice %arg2[%dma_start3A_173, %dma_start3A_174] : memref<100000x128xf32, #tpu.memory_space<hbm>> -> memref<100000x128xf32, #tpu.memory_space<hbm>>
      tpu.enqueue_indirect_dma source(%dma_start3A_175 : memref<100000x128xf32, #tpu.memory_space<hbm>>) target(%arg7 : memref<64x128xf32, #tpu.memory_space<vmem>>) offsets(%dma_start3A_172 : memref<64xi32, #tpu.memory_space<vmem>>) semaphore(%arg17 : memref<!tpu.dma_semaphore, #tpu.memory_space<semaphore_mem>>)
      %mul3A_176 = arith.constant 10 : i32
      %mul3A_177 = arith.muli %scan3A_77, %mul3A_176 : i32
      %add3A_178 = arith.constant 2 : i32
      %add3A_179 = arith.addi %mul3A_177, %add3A_178 : i32
      %jit3A_180 = arith.constant 2 : i32
      %div3A_181 = arith.divsi %add3A_179, %jit3A_180 : i32
      %sign3A_182 = arith.constant 0 : i32
      %sign3A_183 = arith.cmpi sgt, %add3A_179, %sign3A_182 : i32
      %sign3A_184 = arith.extui %sign3A_183 : i1 to i32
      %sign3A_185 = arith.constant 0 : i32
      %sign3A_186 = arith.cmpi slt, %add3A_179, %sign3A_185 : i32
      %sign3A_187 = arith.extui %sign3A_186 : i1 to i32
      %sign3A_188 = arith.subi %sign3A_184, %sign3A_187 : i32
      %sign3A_189 = arith.constant 0 : i32
      %sign3A_190 = arith.cmpi sgt, %jit3A_180, %sign3A_189 : i32
      %sign3A_191 = arith.extui %sign3A_190 : i1 to i32
      %sign3A_192 = arith.constant 0 : i32
      %sign3A_193 = arith.cmpi slt, %jit3A_180, %sign3A_192 : i32
      %sign3A_194 = arith.extui %sign3A_193 : i1 to i32
      %sign3A_195 = arith.subi %sign3A_191, %sign3A_194 : i32
      %ne3A_196 = arith.cmpi ne, %sign3A_188, %sign3A_195 : i32
      %rem3A_197 = arith.remsi %add3A_179, %jit3A_180 : i32
      %ne3A_198 = arith.constant 0 : i32
      %ne3A_199 = arith.cmpi ne, %rem3A_197, %ne3A_198 : i32
      %and3A_200 = arith.andi %ne3A_196, %ne3A_199 : i1
      %sub3A_201 = arith.constant 1 : i32
      %sub3A_202 = arith.subi %div3A_181, %sub3A_201 : i32
      %select_n3A_203 = arith.select %and3A_200, %sub3A_202, %div3A_181 : i32
      %jit3A_204 = arith.constant 2 : i32
      %eq3A_205 = arith.constant 0 : i32
      %eq3A_206 = arith.cmpi eq, %jit3A_204, %eq3A_205 : i32
      %jit3A_207 = arith.constant 1 : i32
      %select_n3A_208 = arith.select %eq3A_206, %jit3A_207, %jit3A_204 : i32
      %rem3A_209 = arith.remsi %add3A_179, %select_n3A_208 : i32
      %ne3A_210 = arith.constant 0 : i32
      %ne3A_211 = arith.cmpi ne, %rem3A_209, %ne3A_210 : i32
      %lt3A_212 = arith.constant 0 : i32
      %lt3A_213 = arith.cmpi slt, %rem3A_209, %lt3A_212 : i32
      %lt3A_214 = arith.constant 0 : i32
      %lt3A_215 = arith.cmpi slt, %select_n3A_208, %lt3A_214 : i32
      %ne3A_216 = arith.xori %lt3A_213, %lt3A_215 : i1
      %and3A_217 = arith.andi %ne3A_216, %ne3A_211 : i1
      %add3A_218 = arith.addi %rem3A_209, %select_n3A_208 : i32
      %select_n3A_219 = arith.select %and3A_217, %add3A_218, %rem3A_209 : i32
      %ge3A_220 = arith.constant 1 : i32
      %ge3A_221 = arith.cmpi sge, %scan3A_77, %ge3A_220 : i32
      %convert_element_type3A_222 = arith.extui %ge3A_221 : i1 to i32
      %cond3A_223 = arith.constant 0 : i32
      %cond3A_224 = arith.cmpi ne, %convert_element_type3A_222, %cond3A_223 : i32
      scf.if %cond3A_224 {
        %dma_wait3A_1224 = arith.constant 0 : i32
        %dma_wait3A_1225 = arith.constant 0 : i32
        %dma_wait3A_1226 = tpu.memref_slice %arg4[%dma_wait3A_1224, %mul3A_2, %dma_wait3A_1225] : memref<50x4096x128xf32, #tpu.memory_space<hbm>> -> memref<1x64x128xf32, #tpu.memory_space<hbm>>
        %dma_wait3A_1227 = tpu.memref_squeeze %dma_wait3A_1226 : memref<1x64x128xf32, #tpu.memory_space<hbm>> -> memref<64x128xf32, #tpu.memory_space<hbm>>
        %dma_wait3A_1228 = arith.constant 0 : i32
        %dma_wait3A_1229 = tpu.memref_slice %arg4[%dma_wait3A_1224, %mul3A_2, %dma_wait3A_1228] : memref<50x4096x128xf32, #tpu.memory_space<hbm>> -> memref<1x64x128xf32, #tpu.memory_space<hbm>>
        %dma_wait3A_1230 = tpu.memref_squeeze %dma_wait3A_1229 : memref<1x64x128xf32, #tpu.memory_space<hbm>> -> memref<64x128xf32, #tpu.memory_space<hbm>>
        tpu.wait_dma2 semaphore(%arg28 : memref<!tpu.dma_semaphore, #tpu.memory_space<semaphore_mem>>) src(%arg8 : memref<64x128xf32, #tpu.memory_space<vmem>>) dst(%dma_wait3A_1230 : memref<64x128xf32, #tpu.memory_space<hbm>>)
      } else {
      }
      %mul3A_225 = arith.constant 64 : i32
      %mul3A_226 = arith.muli %select_n3A_219, %mul3A_225 : i32
      %dma_start3A_227 = tpu.memref_slice %arg5[%select_n3A_203, %mul3A_226] : memref<50x128xi32, #tpu.memory_space<vmem>> -> memref<1x64xi32, #tpu.memory_space<vmem>>
      %dma_start3A_228 = tpu.memref_squeeze %dma_start3A_227 : memref<1x64xi32, #tpu.memory_space<vmem>> -> memref<64xi32, #tpu.memory_space<vmem>>
      %dma_start3A_229 = arith.constant 0 : i32
      %dma_start3A_230 = arith.constant 0 : i32
      %dma_start3A_231 = tpu.memref_slice %arg2[%dma_start3A_229, %dma_start3A_230] : memref<100000x128xf32, #tpu.memory_space<hbm>> -> memref<100000x128xf32, #tpu.memory_space<hbm>>
      tpu.enqueue_indirect_dma source(%dma_start3A_231 : memref<100000x128xf32, #tpu.memory_space<hbm>>) target(%arg8 : memref<64x128xf32, #tpu.memory_space<vmem>>) offsets(%dma_start3A_228 : memref<64xi32, #tpu.memory_space<vmem>>) semaphore(%arg18 : memref<!tpu.dma_semaphore, #tpu.memory_space<semaphore_mem>>)
      %mul3A_232 = arith.constant 10 : i32
      %mul3A_233 = arith.muli %scan3A_77, %mul3A_232 : i32
      %add3A_234 = arith.constant 3 : i32
      %add3A_235 = arith.addi %mul3A_233, %add3A_234 : i32
      %jit3A_236 = arith.constant 2 : i32
      %div3A_237 = arith.divsi %add3A_235, %jit3A_236 : i32
      %sign3A_238 = arith.constant 0 : i32
      %sign3A_239 = arith.cmpi sgt, %add3A_235, %sign3A_238 : i32
      %sign3A_240 = arith.extui %sign3A_239 : i1 to i32
      %sign3A_241 = arith.constant 0 : i32
      %sign3A_242 = arith.cmpi slt, %add3A_235, %sign3A_241 : i32
      %sign3A_243 = arith.extui %sign3A_242 : i1 to i32
      %sign3A_244 = arith.subi %sign3A_240, %sign3A_243 : i32
      %sign3A_245 = arith.constant 0 : i32
      %sign3A_246 = arith.cmpi sgt, %jit3A_236, %sign3A_245 : i32
      %sign3A_247 = arith.extui %sign3A_246 : i1 to i32
      %sign3A_248 = arith.constant 0 : i32
      %sign3A_249 = arith.cmpi slt, %jit3A_236, %sign3A_248 : i32
      %sign3A_250 = arith.extui %sign3A_249 : i1 to i32
      %sign3A_251 = arith.subi %sign3A_247, %sign3A_250 : i32
      %ne3A_252 = arith.cmpi ne, %sign3A_244, %sign3A_251 : i32
      %rem3A_253 = arith.remsi %add3A_235, %jit3A_236 : i32
      %ne3A_254 = arith.constant 0 : i32
      %ne3A_255 = arith.cmpi ne, %rem3A_253, %ne3A_254 : i32
      %and3A_256 = arith.andi %ne3A_252, %ne3A_255 : i1
      %sub3A_257 = arith.constant 1 : i32
      %sub3A_258 = arith.subi %div3A_237, %sub3A_257 : i32
      %select_n3A_259 = arith.select %and3A_256, %sub3A_258, %div3A_237 : i32
      %jit3A_260 = arith.constant 2 : i32
      %eq3A_261 = arith.constant 0 : i32
      %eq3A_262 = arith.cmpi eq, %jit3A_260, %eq3A_261 : i32
      %jit3A_263 = arith.constant 1 : i32
      %select_n3A_264 = arith.select %eq3A_262, %jit3A_263, %jit3A_260 : i32
      %rem3A_265 = arith.remsi %add3A_235, %select_n3A_264 : i32
      %ne3A_266 = arith.constant 0 : i32
      %ne3A_267 = arith.cmpi ne, %rem3A_265, %ne3A_266 : i32
      %lt3A_268 = arith.constant 0 : i32
      %lt3A_269 = arith.cmpi slt, %rem3A_265, %lt3A_268 : i32
      %lt3A_270 = arith.constant 0 : i32
      %lt3A_271 = arith.cmpi slt, %select_n3A_264, %lt3A_270 : i32
      %ne3A_272 = arith.xori %lt3A_269, %lt3A_271 : i1
      %and3A_273 = arith.andi %ne3A_272, %ne3A_267 : i1
      %add3A_274 = arith.addi %rem3A_265, %select_n3A_264 : i32
      %select_n3A_275 = arith.select %and3A_273, %add3A_274, %rem3A_265 : i32
      %ge3A_276 = arith.constant 1 : i32
      %ge3A_277 = arith.cmpi sge, %scan3A_77, %ge3A_276 : i32
      %convert_element_type3A_278 = arith.extui %ge3A_277 : i1 to i32
      %cond3A_279 = arith.constant 0 : i32
      %cond3A_280 = arith.cmpi ne, %convert_element_type3A_278, %cond3A_279 : i32
      scf.if %cond3A_280 {
        %dma_wait3A_1224 = arith.constant 0 : i32
        %dma_wait3A_1225 = arith.constant 0 : i32
        %dma_wait3A_1226 = tpu.memref_slice %arg4[%dma_wait3A_1224, %mul3A_2, %dma_wait3A_1225] : memref<50x4096x128xf32, #tpu.memory_space<hbm>> -> memref<1x64x128xf32, #tpu.memory_space<hbm>>
        %dma_wait3A_1227 = tpu.memref_squeeze %dma_wait3A_1226 : memref<1x64x128xf32, #tpu.memory_space<hbm>> -> memref<64x128xf32, #tpu.memory_space<hbm>>
        %dma_wait3A_1228 = arith.constant 0 : i32
        %dma_wait3A_1229 = tpu.memref_slice %arg4[%dma_wait3A_1224, %mul3A_2, %dma_wait3A_1228] : memref<50x4096x128xf32, #tpu.memory_space<hbm>> -> memref<1x64x128xf32, #tpu.memory_space<hbm>>
        %dma_wait3A_1230 = tpu.memref_squeeze %dma_wait3A_1229 : memref<1x64x128xf32, #tpu.memory_space<hbm>> -> memref<64x128xf32, #tpu.memory_space<hbm>>
        tpu.wait_dma2 semaphore(%arg29 : memref<!tpu.dma_semaphore, #tpu.memory_space<semaphore_mem>>) src(%arg9 : memref<64x128xf32, #tpu.memory_space<vmem>>) dst(%dma_wait3A_1230 : memref<64x128xf32, #tpu.memory_space<hbm>>)
      } else {
      }
      %mul3A_281 = arith.constant 64 : i32
      %mul3A_282 = arith.muli %select_n3A_275, %mul3A_281 : i32
      %dma_start3A_283 = tpu.memref_slice %arg5[%select_n3A_259, %mul3A_282] : memref<50x128xi32, #tpu.memory_space<vmem>> -> memref<1x64xi32, #tpu.memory_space<vmem>>
      %dma_start3A_284 = tpu.memref_squeeze %dma_start3A_283 : memref<1x64xi32, #tpu.memory_space<vmem>> -> memref<64xi32, #tpu.memory_space<vmem>>
      %dma_start3A_285 = arith.constant 0 : i32
      %dma_start3A_286 = arith.constant 0 : i32
      %dma_start3A_287 = tpu.memref_slice %arg2[%dma_start3A_285, %dma_start3A_286] : memref<100000x128xf32, #tpu.memory_space<hbm>> -> memref<100000x128xf32, #tpu.memory_space<hbm>>
      tpu.enqueue_indirect_dma source(%dma_start3A_287 : memref<100000x128xf32, #tpu.memory_space<hbm>>) target(%arg9 : memref<64x128xf32, #tpu.memory_space<vmem>>) offsets(%dma_start3A_284 : memref<64xi32, #tpu.memory_space<vmem>>) semaphore(%arg19 : memref<!tpu.dma_semaphore, #tpu.memory_space<semaphore_mem>>)
      %mul3A_288 = arith.constant 10 : i32
      %mul3A_289 = arith.muli %scan3A_77, %mul3A_288 : i32
      %add3A_290 = arith.constant 4 : i32
      %add3A_291 = arith.addi %mul3A_289, %add3A_290 : i32
      %jit3A_292 = arith.constant 2 : i32
      %div3A_293 = arith.divsi %add3A_291, %jit3A_292 : i32
      %sign3A_294 = arith.constant 0 : i32
      %sign3A_295 = arith.cmpi sgt, %add3A_291, %sign3A_294 : i32
      %sign3A_296 = arith.extui %sign3A_295 : i1 to i32
      %sign3A_297 = arith.constant 0 : i32
      %sign3A_298 = arith.cmpi slt, %add3A_291, %sign3A_297 : i32
      %sign3A_299 = arith.extui %sign3A_298 : i1 to i32
      %sign3A_300 = arith.subi %sign3A_296, %sign3A_299 : i32
      %sign3A_301 = arith.constant 0 : i32
      %sign3A_302 = arith.cmpi sgt, %jit3A_292, %sign3A_301 : i32
      %sign3A_303 = arith.extui %sign3A_302 : i1 to i32
      %sign3A_304 = arith.constant 0 : i32
      %sign3A_305 = arith.cmpi slt, %jit3A_292, %sign3A_304 : i32
      %sign3A_306 = arith.extui %sign3A_305 : i1 to i32
      %sign3A_307 = arith.subi %sign3A_303, %sign3A_306 : i32
      %ne3A_308 = arith.cmpi ne, %sign3A_300, %sign3A_307 : i32
      %rem3A_309 = arith.remsi %add3A_291, %jit3A_292 : i32
      %ne3A_310 = arith.constant 0 : i32
      %ne3A_311 = arith.cmpi ne, %rem3A_309, %ne3A_310 : i32
      %and3A_312 = arith.andi %ne3A_308, %ne3A_311 : i1
      %sub3A_313 = arith.constant 1 : i32
      %sub3A_314 = arith.subi %div3A_293, %sub3A_313 : i32
      %select_n3A_315 = arith.select %and3A_312, %sub3A_314, %div3A_293 : i32
      %jit3A_316 = arith.constant 2 : i32
      %eq3A_317 = arith.constant 0 : i32
      %eq3A_318 = arith.cmpi eq, %jit3A_316, %eq3A_317 : i32
      %jit3A_319 = arith.constant 1 : i32
      %select_n3A_320 = arith.select %eq3A_318, %jit3A_319, %jit3A_316 : i32
      %rem3A_321 = arith.remsi %add3A_291, %select_n3A_320 : i32
      %ne3A_322 = arith.constant 0 : i32
      %ne3A_323 = arith.cmpi ne, %rem3A_321, %ne3A_322 : i32
      %lt3A_324 = arith.constant 0 : i32
      %lt3A_325 = arith.cmpi slt, %rem3A_321, %lt3A_324 : i32
      %lt3A_326 = arith.constant 0 : i32
      %lt3A_327 = arith.cmpi slt, %select_n3A_320, %lt3A_326 : i32
      %ne3A_328 = arith.xori %lt3A_325, %lt3A_327 : i1
      %and3A_329 = arith.andi %ne3A_328, %ne3A_323 : i1
      %add3A_330 = arith.addi %rem3A_321, %select_n3A_320 : i32
      %select_n3A_331 = arith.select %and3A_329, %add3A_330, %rem3A_321 : i32
      %ge3A_332 = arith.constant 1 : i32
      %ge3A_333 = arith.cmpi sge, %scan3A_77, %ge3A_332 : i32
      %convert_element_type3A_334 = arith.extui %ge3A_333 : i1 to i32
      %cond3A_335 = arith.constant 0 : i32
      %cond3A_336 = arith.cmpi ne, %convert_element_type3A_334, %cond3A_335 : i32
      scf.if %cond3A_336 {
        %dma_wait3A_1224 = arith.constant 0 : i32
        %dma_wait3A_1225 = arith.constant 0 : i32
        %dma_wait3A_1226 = tpu.memref_slice %arg4[%dma_wait3A_1224, %mul3A_2, %dma_wait3A_1225] : memref<50x4096x128xf32, #tpu.memory_space<hbm>> -> memref<1x64x128xf32, #tpu.memory_space<hbm>>
        %dma_wait3A_1227 = tpu.memref_squeeze %dma_wait3A_1226 : memref<1x64x128xf32, #tpu.memory_space<hbm>> -> memref<64x128xf32, #tpu.memory_space<hbm>>
        %dma_wait3A_1228 = arith.constant 0 : i32
        %dma_wait3A_1229 = tpu.memref_slice %arg4[%dma_wait3A_1224, %mul3A_2, %dma_wait3A_1228] : memref<50x4096x128xf32, #tpu.memory_space<hbm>> -> memref<1x64x128xf32, #tpu.memory_space<hbm>>
        %dma_wait3A_1230 = tpu.memref_squeeze %dma_wait3A_1229 : memref<1x64x128xf32, #tpu.memory_space<hbm>> -> memref<64x128xf32, #tpu.memory_space<hbm>>
        tpu.wait_dma2 semaphore(%arg30 : memref<!tpu.dma_semaphore, #tpu.memory_space<semaphore_mem>>) src(%arg10 : memref<64x128xf32, #tpu.memory_space<vmem>>) dst(%dma_wait3A_1230 : memref<64x128xf32, #tpu.memory_space<hbm>>)
      } else {
      }
      %mul3A_337 = arith.constant 64 : i32
      %mul3A_338 = arith.muli %select_n3A_331, %mul3A_337 : i32
      %dma_start3A_339 = tpu.memref_slice %arg5[%select_n3A_315, %mul3A_338] : memref<50x128xi32, #tpu.memory_space<vmem>> -> memref<1x64xi32, #tpu.memory_space<vmem>>
      %dma_start3A_340 = tpu.memref_squeeze %dma_start3A_339 : memref<1x64xi32, #tpu.memory_space<vmem>> -> memref<64xi32, #tpu.memory_space<vmem>>
      %dma_start3A_341 = arith.constant 0 : i32
      %dma_start3A_342 = arith.constant 0 : i32
      %dma_start3A_343 = tpu.memref_slice %arg2[%dma_start3A_341, %dma_start3A_342] : memref<100000x128xf32, #tpu.memory_space<hbm>> -> memref<100000x128xf32, #tpu.memory_space<hbm>>
      tpu.enqueue_indirect_dma source(%dma_start3A_343 : memref<100000x128xf32, #tpu.memory_space<hbm>>) target(%arg10 : memref<64x128xf32, #tpu.memory_space<vmem>>) offsets(%dma_start3A_340 : memref<64xi32, #tpu.memory_space<vmem>>) semaphore(%arg20 : memref<!tpu.dma_semaphore, #tpu.memory_space<semaphore_mem>>)
      %mul3A_344 = arith.constant 10 : i32
      %mul3A_345 = arith.muli %scan3A_77, %mul3A_344 : i32
      %add3A_346 = arith.constant 5 : i32
      %add3A_347 = arith.addi %mul3A_345, %add3A_346 : i32
      %jit3A_348 = arith.constant 2 : i32
      %div3A_349 = arith.divsi %add3A_347, %jit3A_348 : i32
      %sign3A_350 = arith.constant 0 : i32
      %sign3A_351 = arith.cmpi sgt, %add3A_347, %sign3A_350 : i32
      %sign3A_352 = arith.extui %sign3A_351 : i1 to i32
      %sign3A_353 = arith.constant 0 : i32
      %sign3A_354 = arith.cmpi slt, %add3A_347, %sign3A_353 : i32
      %sign3A_355 = arith.extui %sign3A_354 : i1 to i32
      %sign3A_356 = arith.subi %sign3A_352, %sign3A_355 : i32
      %sign3A_357 = arith.constant 0 : i32
      %sign3A_358 = arith.cmpi sgt, %jit3A_348, %sign3A_357 : i32
      %sign3A_359 = arith.extui %sign3A_358 : i1 to i32
      %sign3A_360 = arith.constant 0 : i32
      %sign3A_361 = arith.cmpi slt, %jit3A_348, %sign3A_360 : i32
      %sign3A_362 = arith.extui %sign3A_361 : i1 to i32
      %sign3A_363 = arith.subi %sign3A_359, %sign3A_362 : i32
      %ne3A_364 = arith.cmpi ne, %sign3A_356, %sign3A_363 : i32
      %rem3A_365 = arith.remsi %add3A_347, %jit3A_348 : i32
      %ne3A_366 = arith.constant 0 : i32
      %ne3A_367 = arith.cmpi ne, %rem3A_365, %ne3A_366 : i32
      %and3A_368 = arith.andi %ne3A_364, %ne3A_367 : i1
      %sub3A_369 = arith.constant 1 : i32
      %sub3A_370 = arith.subi %div3A_349, %sub3A_369 : i32
      %select_n3A_371 = arith.select %and3A_368, %sub3A_370, %div3A_349 : i32
      %jit3A_372 = arith.constant 2 : i32
      %eq3A_373 = arith.constant 0 : i32
      %eq3A_374 = arith.cmpi eq, %jit3A_372, %eq3A_373 : i32
      %jit3A_375 = arith.constant 1 : i32
      %select_n3A_376 = arith.select %eq3A_374, %jit3A_375, %jit3A_372 : i32
      %rem3A_377 = arith.remsi %add3A_347, %select_n3A_376 : i32
      %ne3A_378 = arith.constant 0 : i32
      %ne3A_379 = arith.cmpi ne, %rem3A_377, %ne3A_378 : i32
      %lt3A_380 = arith.constant 0 : i32
      %lt3A_381 = arith.cmpi slt, %rem3A_377, %lt3A_380 : i32
      %lt3A_382 = arith.constant 0 : i32
      %lt3A_383 = arith.cmpi slt, %select_n3A_376, %lt3A_382 : i32
      %ne3A_384 = arith.xori %lt3A_381, %lt3A_383 : i1
      %and3A_385 = arith.andi %ne3A_384, %ne3A_379 : i1
      %add3A_386 = arith.addi %rem3A_377, %select_n3A_376 : i32
      %select_n3A_387 = arith.select %and3A_385, %add3A_386, %rem3A_377 : i32
      %ge3A_388 = arith.constant 1 : i32
      %ge3A_389 = arith.cmpi sge, %scan3A_77, %ge3A_388 : i32
      %convert_element_type3A_390 = arith.extui %ge3A_389 : i1 to i32
      %cond3A_391 = arith.constant 0 : i32
      %cond3A_392 = arith.cmpi ne, %convert_element_type3A_390, %cond3A_391 : i32
      scf.if %cond3A_392 {
        %dma_wait3A_1224 = arith.constant 0 : i32
        %dma_wait3A_1225 = arith.constant 0 : i32
        %dma_wait3A_1226 = tpu.memref_slice %arg4[%dma_wait3A_1224, %mul3A_2, %dma_wait3A_1225] : memref<50x4096x128xf32, #tpu.memory_space<hbm>> -> memref<1x64x128xf32, #tpu.memory_space<hbm>>
        %dma_wait3A_1227 = tpu.memref_squeeze %dma_wait3A_1226 : memref<1x64x128xf32, #tpu.memory_space<hbm>> -> memref<64x128xf32, #tpu.memory_space<hbm>>
        %dma_wait3A_1228 = arith.constant 0 : i32
        %dma_wait3A_1229 = tpu.memref_slice %arg4[%dma_wait3A_1224, %mul3A_2, %dma_wait3A_1228] : memref<50x4096x128xf32, #tpu.memory_space<hbm>> -> memref<1x64x128xf32, #tpu.memory_space<hbm>>
        %dma_wait3A_1230 = tpu.memref_squeeze %dma_wait3A_1229 : memref<1x64x128xf32, #tpu.memory_space<hbm>> -> memref<64x128xf32, #tpu.memory_space<hbm>>
        tpu.wait_dma2 semaphore(%arg31 : memref<!tpu.dma_semaphore, #tpu.memory_space<semaphore_mem>>) src(%arg11 : memref<64x128xf32, #tpu.memory_space<vmem>>) dst(%dma_wait3A_1230 : memref<64x128xf32, #tpu.memory_space<hbm>>)
      } else {
      }
      %mul3A_393 = arith.constant 64 : i32
      %mul3A_394 = arith.muli %select_n3A_387, %mul3A_393 : i32
      %dma_start3A_395 = tpu.memref_slice %arg5[%select_n3A_371, %mul3A_394] : memref<50x128xi32, #tpu.memory_space<vmem>> -> memref<1x64xi32, #tpu.memory_space<vmem>>
      %dma_start3A_396 = tpu.memref_squeeze %dma_start3A_395 : memref<1x64xi32, #tpu.memory_space<vmem>> -> memref<64xi32, #tpu.memory_space<vmem>>
      %dma_start3A_397 = arith.constant 0 : i32
      %dma_start3A_398 = arith.constant 0 : i32
      %dma_start3A_399 = tpu.memref_slice %arg2[%dma_start3A_397, %dma_start3A_398] : memref<100000x128xf32, #tpu.memory_space<hbm>> -> memref<100000x128xf32, #tpu.memory_space<hbm>>
      tpu.enqueue_indirect_dma source(%dma_start3A_399 : memref<100000x128xf32, #tpu.memory_space<hbm>>) target(%arg11 : memref<64x128xf32, #tpu.memory_space<vmem>>) offsets(%dma_start3A_396 : memref<64xi32, #tpu.memory_space<vmem>>) semaphore(%arg21 : memref<!tpu.dma_semaphore, #tpu.memory_space<semaphore_mem>>)
      %mul3A_400 = arith.constant 10 : i32
      %mul3A_401 = arith.muli %scan3A_77, %mul3A_400 : i32
      %add3A_402 = arith.constant 6 : i32
      %add3A_403 = arith.addi %mul3A_401, %add3A_402 : i32
      %jit3A_404 = arith.constant 2 : i32
      %div3A_405 = arith.divsi %add3A_403, %jit3A_404 : i32
      %sign3A_406 = arith.constant 0 : i32
      %sign3A_407 = arith.cmpi sgt, %add3A_403, %sign3A_406 : i32
      %sign3A_408 = arith.extui %sign3A_407 : i1 to i32
      %sign3A_409 = arith.constant 0 : i32
      %sign3A_410 = arith.cmpi slt, %add3A_403, %sign3A_409 : i32
      %sign3A_411 = arith.extui %sign3A_410 : i1 to i32
      %sign3A_412 = arith.subi %sign3A_408, %sign3A_411 : i32
      %sign3A_413 = arith.constant 0 : i32
      %sign3A_414 = arith.cmpi sgt, %jit3A_404, %sign3A_413 : i32
      %sign3A_415 = arith.extui %sign3A_414 : i1 to i32
      %sign3A_416 = arith.constant 0 : i32
      %sign3A_417 = arith.cmpi slt, %jit3A_404, %sign3A_416 : i32
      %sign3A_418 = arith.extui %sign3A_417 : i1 to i32
      %sign3A_419 = arith.subi %sign3A_415, %sign3A_418 : i32
      %ne3A_420 = arith.cmpi ne, %sign3A_412, %sign3A_419 : i32
      %rem3A_421 = arith.remsi %add3A_403, %jit3A_404 : i32
      %ne3A_422 = arith.constant 0 : i32
      %ne3A_423 = arith.cmpi ne, %rem3A_421, %ne3A_422 : i32
      %and3A_424 = arith.andi %ne3A_420, %ne3A_423 : i1
      %sub3A_425 = arith.constant 1 : i32
      %sub3A_426 = arith.subi %div3A_405, %sub3A_425 : i32
      %select_n3A_427 = arith.select %and3A_424, %sub3A_426, %div3A_405 : i32
      %jit3A_428 = arith.constant 2 : i32
      %eq3A_429 = arith.constant 0 : i32
      %eq3A_430 = arith.cmpi eq, %jit3A_428, %eq3A_429 : i32
      %jit3A_431 = arith.constant 1 : i32
      %select_n3A_432 = arith.select %eq3A_430, %jit3A_431, %jit3A_428 : i32
      %rem3A_433 = arith.remsi %add3A_403, %select_n3A_432 : i32
      %ne3A_434 = arith.constant 0 : i32
      %ne3A_435 = arith.cmpi ne, %rem3A_433, %ne3A_434 : i32
      %lt3A_436 = arith.constant 0 : i32
      %lt3A_437 = arith.cmpi slt, %rem3A_433, %lt3A_436 : i32
      %lt3A_438 = arith.constant 0 : i32
      %lt3A_439 = arith.cmpi slt, %select_n3A_432, %lt3A_438 : i32
      %ne3A_440 = arith.xori %lt3A_437, %lt3A_439 : i1
      %and3A_441 = arith.andi %ne3A_440, %ne3A_435 : i1
      %add3A_442 = arith.addi %rem3A_433, %select_n3A_432 : i32
      %select_n3A_443 = arith.select %and3A_441, %add3A_442, %rem3A_433 : i32
      %ge3A_444 = arith.constant 1 : i32
      %ge3A_445 = arith.cmpi sge, %scan3A_77, %ge3A_444 : i32
      %convert_element_type3A_446 = arith.extui %ge3A_445 : i1 to i32
      %cond3A_447 = arith.constant 0 : i32
      %cond3A_448 = arith.cmpi ne, %convert_element_type3A_446, %cond3A_447 : i32
      scf.if %cond3A_448 {
        %dma_wait3A_1224 = arith.constant 0 : i32
        %dma_wait3A_1225 = arith.constant 0 : i32
        %dma_wait3A_1226 = tpu.memref_slice %arg4[%dma_wait3A_1224, %mul3A_2, %dma_wait3A_1225] : memref<50x4096x128xf32, #tpu.memory_space<hbm>> -> memref<1x64x128xf32, #tpu.memory_space<hbm>>
        %dma_wait3A_1227 = tpu.memref_squeeze %dma_wait3A_1226 : memref<1x64x128xf32, #tpu.memory_space<hbm>> -> memref<64x128xf32, #tpu.memory_space<hbm>>
        %dma_wait3A_1228 = arith.constant 0 : i32
        %dma_wait3A_1229 = tpu.memref_slice %arg4[%dma_wait3A_1224, %mul3A_2, %dma_wait3A_1228] : memref<50x4096x128xf32, #tpu.memory_space<hbm>> -> memref<1x64x128xf32, #tpu.memory_space<hbm>>
        %dma_wait3A_1230 = tpu.memref_squeeze %dma_wait3A_1229 : memref<1x64x128xf32, #tpu.memory_space<hbm>> -> memref<64x128xf32, #tpu.memory_space<hbm>>
        tpu.wait_dma2 semaphore(%arg32 : memref<!tpu.dma_semaphore, #tpu.memory_space<semaphore_mem>>) src(%arg12 : memref<64x128xf32, #tpu.memory_space<vmem>>) dst(%dma_wait3A_1230 : memref<64x128xf32, #tpu.memory_space<hbm>>)
      } else {
      }
      %mul3A_449 = arith.constant 64 : i32
      %mul3A_450 = arith.muli %select_n3A_443, %mul3A_449 : i32
      %dma_start3A_451 = tpu.memref_slice %arg5[%select_n3A_427, %mul3A_450] : memref<50x128xi32, #tpu.memory_space<vmem>> -> memref<1x64xi32, #tpu.memory_space<vmem>>
      %dma_start3A_452 = tpu.memref_squeeze %dma_start3A_451 : memref<1x64xi32, #tpu.memory_space<vmem>> -> memref<64xi32, #tpu.memory_space<vmem>>
      %dma_start3A_453 = arith.constant 0 : i32
      %dma_start3A_454 = arith.constant 0 : i32
      %dma_start3A_455 = tpu.memref_slice %arg2[%dma_start3A_453, %dma_start3A_454] : memref<100000x128xf32, #tpu.memory_space<hbm>> -> memref<100000x128xf32, #tpu.memory_space<hbm>>
      tpu.enqueue_indirect_dma source(%dma_start3A_455 : memref<100000x128xf32, #tpu.memory_space<hbm>>) target(%arg12 : memref<64x128xf32, #tpu.memory_space<vmem>>) offsets(%dma_start3A_452 : memref<64xi32, #tpu.memory_space<vmem>>) semaphore(%arg22 : memref<!tpu.dma_semaphore, #tpu.memory_space<semaphore_mem>>)
      %mul3A_456 = arith.constant 10 : i32
      %mul3A_457 = arith.muli %scan3A_77, %mul3A_456 : i32
      %add3A_458 = arith.constant 7 : i32
      %add3A_459 = arith.addi %mul3A_457, %add3A_458 : i32
      %jit3A_460 = arith.constant 2 : i32
      %div3A_461 = arith.divsi %add3A_459, %jit3A_460 : i32
      %sign3A_462 = arith.constant 0 : i32
      %sign3A_463 = arith.cmpi sgt, %add3A_459, %sign3A_462 : i32
      %sign3A_464 = arith.extui %sign3A_463 : i1 to i32
      %sign3A_465 = arith.constant 0 : i32
      %sign3A_466 = arith.cmpi slt, %add3A_459, %sign3A_465 : i32
      %sign3A_467 = arith.extui %sign3A_466 : i1 to i32
      %sign3A_468 = arith.subi %sign3A_464, %sign3A_467 : i32
      %sign3A_469 = arith.constant 0 : i32
      %sign3A_470 = arith.cmpi sgt, %jit3A_460, %sign3A_469 : i32
      %sign3A_471 = arith.extui %sign3A_470 : i1 to i32
      %sign3A_472 = arith.constant 0 : i32
      %sign3A_473 = arith.cmpi slt, %jit3A_460, %sign3A_472 : i32
      %sign3A_474 = arith.extui %sign3A_473 : i1 to i32
      %sign3A_475 = arith.subi %sign3A_471, %sign3A_474 : i32
      %ne3A_476 = arith.cmpi ne, %sign3A_468, %sign3A_475 : i32
      %rem3A_477 = arith.remsi %add3A_459, %jit3A_460 : i32
      %ne3A_478 = arith.constant 0 : i32
      %ne3A_479 = arith.cmpi ne, %rem3A_477, %ne3A_478 : i32
      %and3A_480 = arith.andi %ne3A_476, %ne3A_479 : i1
      %sub3A_481 = arith.constant 1 : i32
      %sub3A_482 = arith.subi %div3A_461, %sub3A_481 : i32
      %select_n3A_483 = arith.select %and3A_480, %sub3A_482, %div3A_461 : i32
      %jit3A_484 = arith.constant 2 : i32
      %eq3A_485 = arith.constant 0 : i32
      %eq3A_486 = arith.cmpi eq, %jit3A_484, %eq3A_485 : i32
      %jit3A_487 = arith.constant 1 : i32
      %select_n3A_488 = arith.select %eq3A_486, %jit3A_487, %jit3A_484 : i32
      %rem3A_489 = arith.remsi %add3A_459, %select_n3A_488 : i32
      %ne3A_490 = arith.constant 0 : i32
      %ne3A_491 = arith.cmpi ne, %rem3A_489, %ne3A_490 : i32
      %lt3A_492 = arith.constant 0 : i32
      %lt3A_493 = arith.cmpi slt, %rem3A_489, %lt3A_492 : i32
      %lt3A_494 = arith.constant 0 : i32
      %lt3A_495 = arith.cmpi slt, %select_n3A_488, %lt3A_494 : i32
      %ne3A_496 = arith.xori %lt3A_493, %lt3A_495 : i1
      %and3A_497 = arith.andi %ne3A_496, %ne3A_491 : i1
      %add3A_498 = arith.addi %rem3A_489, %select_n3A_488 : i32
      %select_n3A_499 = arith.select %and3A_497, %add3A_498, %rem3A_489 : i32
      %ge3A_500 = arith.constant 1 : i32
      %ge3A_501 = arith.cmpi sge, %scan3A_77, %ge3A_500 : i32
      %convert_element_type3A_502 = arith.extui %ge3A_501 : i1 to i32
      %cond3A_503 = arith.constant 0 : i32
      %cond3A_504 = arith.cmpi ne, %convert_element_type3A_502, %cond3A_503 : i32
      scf.if %cond3A_504 {
        %dma_wait3A_1224 = arith.constant 0 : i32
        %dma_wait3A_1225 = arith.constant 0 : i32
        %dma_wait3A_1226 = tpu.memref_slice %arg4[%dma_wait3A_1224, %mul3A_2, %dma_wait3A_1225] : memref<50x4096x128xf32, #tpu.memory_space<hbm>> -> memref<1x64x128xf32, #tpu.memory_space<hbm>>
        %dma_wait3A_1227 = tpu.memref_squeeze %dma_wait3A_1226 : memref<1x64x128xf32, #tpu.memory_space<hbm>> -> memref<64x128xf32, #tpu.memory_space<hbm>>
        %dma_wait3A_1228 = arith.constant 0 : i32
        %dma_wait3A_1229 = tpu.memref_slice %arg4[%dma_wait3A_1224, %mul3A_2, %dma_wait3A_1228] : memref<50x4096x128xf32, #tpu.memory_space<hbm>> -> memref<1x64x128xf32, #tpu.memory_space<hbm>>
        %dma_wait3A_1230 = tpu.memref_squeeze %dma_wait3A_1229 : memref<1x64x128xf32, #tpu.memory_space<hbm>> -> memref<64x128xf32, #tpu.memory_space<hbm>>
        tpu.wait_dma2 semaphore(%arg33 : memref<!tpu.dma_semaphore, #tpu.memory_space<semaphore_mem>>) src(%arg13 : memref<64x128xf32, #tpu.memory_space<vmem>>) dst(%dma_wait3A_1230 : memref<64x128xf32, #tpu.memory_space<hbm>>)
      } else {
      }
      %mul3A_505 = arith.constant 64 : i32
      %mul3A_506 = arith.muli %select_n3A_499, %mul3A_505 : i32
      %dma_start3A_507 = tpu.memref_slice %arg5[%select_n3A_483, %mul3A_506] : memref<50x128xi32, #tpu.memory_space<vmem>> -> memref<1x64xi32, #tpu.memory_space<vmem>>
      %dma_start3A_508 = tpu.memref_squeeze %dma_start3A_507 : memref<1x64xi32, #tpu.memory_space<vmem>> -> memref<64xi32, #tpu.memory_space<vmem>>
      %dma_start3A_509 = arith.constant 0 : i32
      %dma_start3A_510 = arith.constant 0 : i32
      %dma_start3A_511 = tpu.memref_slice %arg2[%dma_start3A_509, %dma_start3A_510] : memref<100000x128xf32, #tpu.memory_space<hbm>> -> memref<100000x128xf32, #tpu.memory_space<hbm>>
      tpu.enqueue_indirect_dma source(%dma_start3A_511 : memref<100000x128xf32, #tpu.memory_space<hbm>>) target(%arg13 : memref<64x128xf32, #tpu.memory_space<vmem>>) offsets(%dma_start3A_508 : memref<64xi32, #tpu.memory_space<vmem>>) semaphore(%arg23 : memref<!tpu.dma_semaphore, #tpu.memory_space<semaphore_mem>>)
      %mul3A_512 = arith.constant 10 : i32
      %mul3A_513 = arith.muli %scan3A_77, %mul3A_512 : i32
      %add3A_514 = arith.constant 8 : i32
      %add3A_515 = arith.addi %mul3A_513, %add3A_514 : i32
      %jit3A_516 = arith.constant 2 : i32
      %div3A_517 = arith.divsi %add3A_515, %jit3A_516 : i32
      %sign3A_518 = arith.constant 0 : i32
      %sign3A_519 = arith.cmpi sgt, %add3A_515, %sign3A_518 : i32
      %sign3A_520 = arith.extui %sign3A_519 : i1 to i32
      %sign3A_521 = arith.constant 0 : i32
      %sign3A_522 = arith.cmpi slt, %add3A_515, %sign3A_521 : i32
      %sign3A_523 = arith.extui %sign3A_522 : i1 to i32
      %sign3A_524 = arith.subi %sign3A_520, %sign3A_523 : i32
      %sign3A_525 = arith.constant 0 : i32
      %sign3A_526 = arith.cmpi sgt, %jit3A_516, %sign3A_525 : i32
      %sign3A_527 = arith.extui %sign3A_526 : i1 to i32
      %sign3A_528 = arith.constant 0 : i32
      %sign3A_529 = arith.cmpi slt, %jit3A_516, %sign3A_528 : i32
      %sign3A_530 = arith.extui %sign3A_529 : i1 to i32
      %sign3A_531 = arith.subi %sign3A_527, %sign3A_530 : i32
      %ne3A_532 = arith.cmpi ne, %sign3A_524, %sign3A_531 : i32
      %rem3A_533 = arith.remsi %add3A_515, %jit3A_516 : i32
      %ne3A_534 = arith.constant 0 : i32
      %ne3A_535 = arith.cmpi ne, %rem3A_533, %ne3A_534 : i32
      %and3A_536 = arith.andi %ne3A_532, %ne3A_535 : i1
      %sub3A_537 = arith.constant 1 : i32
      %sub3A_538 = arith.subi %div3A_517, %sub3A_537 : i32
      %select_n3A_539 = arith.select %and3A_536, %sub3A_538, %div3A_517 : i32
      %jit3A_540 = arith.constant 2 : i32
      %eq3A_541 = arith.constant 0 : i32
      %eq3A_542 = arith.cmpi eq, %jit3A_540, %eq3A_541 : i32
      %jit3A_543 = arith.constant 1 : i32
      %select_n3A_544 = arith.select %eq3A_542, %jit3A_543, %jit3A_540 : i32
      %rem3A_545 = arith.remsi %add3A_515, %select_n3A_544 : i32
      %ne3A_546 = arith.constant 0 : i32
      %ne3A_547 = arith.cmpi ne, %rem3A_545, %ne3A_546 : i32
      %lt3A_548 = arith.constant 0 : i32
      %lt3A_549 = arith.cmpi slt, %rem3A_545, %lt3A_548 : i32
      %lt3A_550 = arith.constant 0 : i32
      %lt3A_551 = arith.cmpi slt, %select_n3A_544, %lt3A_550 : i32
      %ne3A_552 = arith.xori %lt3A_549, %lt3A_551 : i1
      %and3A_553 = arith.andi %ne3A_552, %ne3A_547 : i1
      %add3A_554 = arith.addi %rem3A_545, %select_n3A_544 : i32
      %select_n3A_555 = arith.select %and3A_553, %add3A_554, %rem3A_545 : i32
      %ge3A_556 = arith.constant 1 : i32
      %ge3A_557 = arith.cmpi sge, %scan3A_77, %ge3A_556 : i32
      %convert_element_type3A_558 = arith.extui %ge3A_557 : i1 to i32
      %cond3A_559 = arith.constant 0 : i32
      %cond3A_560 = arith.cmpi ne, %convert_element_type3A_558, %cond3A_559 : i32
      scf.if %cond3A_560 {
        %dma_wait3A_1224 = arith.constant 0 : i32
        %dma_wait3A_1225 = arith.constant 0 : i32
        %dma_wait3A_1226 = tpu.memref_slice %arg4[%dma_wait3A_1224, %mul3A_2, %dma_wait3A_1225] : memref<50x4096x128xf32, #tpu.memory_space<hbm>> -> memref<1x64x128xf32, #tpu.memory_space<hbm>>
        %dma_wait3A_1227 = tpu.memref_squeeze %dma_wait3A_1226 : memref<1x64x128xf32, #tpu.memory_space<hbm>> -> memref<64x128xf32, #tpu.memory_space<hbm>>
        %dma_wait3A_1228 = arith.constant 0 : i32
        %dma_wait3A_1229 = tpu.memref_slice %arg4[%dma_wait3A_1224, %mul3A_2, %dma_wait3A_1228] : memref<50x4096x128xf32, #tpu.memory_space<hbm>> -> memref<1x64x128xf32, #tpu.memory_space<hbm>>
        %dma_wait3A_1230 = tpu.memref_squeeze %dma_wait3A_1229 : memref<1x64x128xf32, #tpu.memory_space<hbm>> -> memref<64x128xf32, #tpu.memory_space<hbm>>
        tpu.wait_dma2 semaphore(%arg34 : memref<!tpu.dma_semaphore, #tpu.memory_space<semaphore_mem>>) src(%arg14 : memref<64x128xf32, #tpu.memory_space<vmem>>) dst(%dma_wait3A_1230 : memref<64x128xf32, #tpu.memory_space<hbm>>)
      } else {
      }
      %mul3A_561 = arith.constant 64 : i32
      %mul3A_562 = arith.muli %select_n3A_555, %mul3A_561 : i32
      %dma_start3A_563 = tpu.memref_slice %arg5[%select_n3A_539, %mul3A_562] : memref<50x128xi32, #tpu.memory_space<vmem>> -> memref<1x64xi32, #tpu.memory_space<vmem>>
      %dma_start3A_564 = tpu.memref_squeeze %dma_start3A_563 : memref<1x64xi32, #tpu.memory_space<vmem>> -> memref<64xi32, #tpu.memory_space<vmem>>
      %dma_start3A_565 = arith.constant 0 : i32
      %dma_start3A_566 = arith.constant 0 : i32
      %dma_start3A_567 = tpu.memref_slice %arg2[%dma_start3A_565, %dma_start3A_566] : memref<100000x128xf32, #tpu.memory_space<hbm>> -> memref<100000x128xf32, #tpu.memory_space<hbm>>
      tpu.enqueue_indirect_dma source(%dma_start3A_567 : memref<100000x128xf32, #tpu.memory_space<hbm>>) target(%arg14 : memref<64x128xf32, #tpu.memory_space<vmem>>) offsets(%dma_start3A_564 : memref<64xi32, #tpu.memory_space<vmem>>) semaphore(%arg24 : memref<!tpu.dma_semaphore, #tpu.memory_space<semaphore_mem>>)
      %mul3A_568 = arith.constant 10 : i32
      %mul3A_569 = arith.muli %scan3A_77, %mul3A_568 : i32
      %add3A_570 = arith.constant 9 : i32
      %add3A_571 = arith.addi %mul3A_569, %add3A_570 : i32
      %jit3A_572 = arith.constant 2 : i32
      %div3A_573 = arith.divsi %add3A_571, %jit3A_572 : i32
      %sign3A_574 = arith.constant 0 : i32
      %sign3A_575 = arith.cmpi sgt, %add3A_571, %sign3A_574 : i32
      %sign3A_576 = arith.extui %sign3A_575 : i1 to i32
      %sign3A_577 = arith.constant 0 : i32
      %sign3A_578 = arith.cmpi slt, %add3A_571, %sign3A_577 : i32
      %sign3A_579 = arith.extui %sign3A_578 : i1 to i32
      %sign3A_580 = arith.subi %sign3A_576, %sign3A_579 : i32
      %sign3A_581 = arith.constant 0 : i32
      %sign3A_582 = arith.cmpi sgt, %jit3A_572, %sign3A_581 : i32
      %sign3A_583 = arith.extui %sign3A_582 : i1 to i32
      %sign3A_584 = arith.constant 0 : i32
      %sign3A_585 = arith.cmpi slt, %jit3A_572, %sign3A_584 : i32
      %sign3A_586 = arith.extui %sign3A_585 : i1 to i32
      %sign3A_587 = arith.subi %sign3A_583, %sign3A_586 : i32
      %ne3A_588 = arith.cmpi ne, %sign3A_580, %sign3A_587 : i32
      %rem3A_589 = arith.remsi %add3A_571, %jit3A_572 : i32
      %ne3A_590 = arith.constant 0 : i32
      %ne3A_591 = arith.cmpi ne, %rem3A_589, %ne3A_590 : i32
      %and3A_592 = arith.andi %ne3A_588, %ne3A_591 : i1
      %sub3A_593 = arith.constant 1 : i32
      %sub3A_594 = arith.subi %div3A_573, %sub3A_593 : i32
      %select_n3A_595 = arith.select %and3A_592, %sub3A_594, %div3A_573 : i32
      %jit3A_596 = arith.constant 2 : i32
      %eq3A_597 = arith.constant 0 : i32
      %eq3A_598 = arith.cmpi eq, %jit3A_596, %eq3A_597 : i32
      %jit3A_599 = arith.constant 1 : i32
      %select_n3A_600 = arith.select %eq3A_598, %jit3A_599, %jit3A_596 : i32
      %rem3A_601 = arith.remsi %add3A_571, %select_n3A_600 : i32
      %ne3A_602 = arith.constant 0 : i32
      %ne3A_603 = arith.cmpi ne, %rem3A_601, %ne3A_602 : i32
      %lt3A_604 = arith.constant 0 : i32
      %lt3A_605 = arith.cmpi slt, %rem3A_601, %lt3A_604 : i32
      %lt3A_606 = arith.constant 0 : i32
      %lt3A_607 = arith.cmpi slt, %select_n3A_600, %lt3A_606 : i32
      %ne3A_608 = arith.xori %lt3A_605, %lt3A_607 : i1
      %and3A_609 = arith.andi %ne3A_608, %ne3A_603 : i1
      %add3A_610 = arith.addi %rem3A_601, %select_n3A_600 : i32
      %select_n3A_611 = arith.select %and3A_609, %add3A_610, %rem3A_601 : i32
      %ge3A_612 = arith.constant 1 : i32
      %ge3A_613 = arith.cmpi sge, %scan3A_77, %ge3A_612 : i32
      %convert_element_type3A_614 = arith.extui %ge3A_613 : i1 to i32
      %cond3A_615 = arith.constant 0 : i32
      %cond3A_616 = arith.cmpi ne, %convert_element_type3A_614, %cond3A_615 : i32
      scf.if %cond3A_616 {
        %dma_wait3A_1224 = arith.constant 0 : i32
        %dma_wait3A_1225 = arith.constant 0 : i32
        %dma_wait3A_1226 = tpu.memref_slice %arg4[%dma_wait3A_1224, %mul3A_2, %dma_wait3A_1225] : memref<50x4096x128xf32, #tpu.memory_space<hbm>> -> memref<1x64x128xf32, #tpu.memory_space<hbm>>
        %dma_wait3A_1227 = tpu.memref_squeeze %dma_wait3A_1226 : memref<1x64x128xf32, #tpu.memory_space<hbm>> -> memref<64x128xf32, #tpu.memory_space<hbm>>
        %dma_wait3A_1228 = arith.constant 0 : i32
        %dma_wait3A_1229 = tpu.memref_slice %arg4[%dma_wait3A_1224, %mul3A_2, %dma_wait3A_1228] : memref<50x4096x128xf32, #tpu.memory_space<hbm>> -> memref<1x64x128xf32, #tpu.memory_space<hbm>>
        %dma_wait3A_1230 = tpu.memref_squeeze %dma_wait3A_1229 : memref<1x64x128xf32, #tpu.memory_space<hbm>> -> memref<64x128xf32, #tpu.memory_space<hbm>>
        tpu.wait_dma2 semaphore(%arg35 : memref<!tpu.dma_semaphore, #tpu.memory_space<semaphore_mem>>) src(%arg15 : memref<64x128xf32, #tpu.memory_space<vmem>>) dst(%dma_wait3A_1230 : memref<64x128xf32, #tpu.memory_space<hbm>>)
      } else {
      }
      %mul3A_617 = arith.constant 64 : i32
      %mul3A_618 = arith.muli %select_n3A_611, %mul3A_617 : i32
      %dma_start3A_619 = tpu.memref_slice %arg5[%select_n3A_595, %mul3A_618] : memref<50x128xi32, #tpu.memory_space<vmem>> -> memref<1x64xi32, #tpu.memory_space<vmem>>
      %dma_start3A_620 = tpu.memref_squeeze %dma_start3A_619 : memref<1x64xi32, #tpu.memory_space<vmem>> -> memref<64xi32, #tpu.memory_space<vmem>>
      %dma_start3A_621 = arith.constant 0 : i32
      %dma_start3A_622 = arith.constant 0 : i32
      %dma_start3A_623 = tpu.memref_slice %arg2[%dma_start3A_621, %dma_start3A_622] : memref<100000x128xf32, #tpu.memory_space<hbm>> -> memref<100000x128xf32, #tpu.memory_space<hbm>>
      tpu.enqueue_indirect_dma source(%dma_start3A_623 : memref<100000x128xf32, #tpu.memory_space<hbm>>) target(%arg15 : memref<64x128xf32, #tpu.memory_space<vmem>>) offsets(%dma_start3A_620 : memref<64xi32, #tpu.memory_space<vmem>>) semaphore(%arg25 : memref<!tpu.dma_semaphore, #tpu.memory_space<semaphore_mem>>)
      %mul3A_624 = arith.constant 10 : i32
      %mul3A_625 = arith.muli %scan3A_77, %mul3A_624 : i32
      %add3A_626 = arith.constant 0 : i32
      %add3A_627 = arith.addi %mul3A_625, %add3A_626 : i32
      %jit3A_628 = arith.constant 2 : i32
      %div3A_629 = arith.divsi %add3A_627, %jit3A_628 : i32
      %sign3A_630 = arith.constant 0 : i32
      %sign3A_631 = arith.cmpi sgt, %add3A_627, %sign3A_630 : i32
      %sign3A_632 = arith.extui %sign3A_631 : i1 to i32
      %sign3A_633 = arith.constant 0 : i32
      %sign3A_634 = arith.cmpi slt, %add3A_627, %sign3A_633 : i32
      %sign3A_635 = arith.extui %sign3A_634 : i1 to i32
      %sign3A_636 = arith.subi %sign3A_632, %sign3A_635 : i32
      %sign3A_637 = arith.constant 0 : i32
      %sign3A_638 = arith.cmpi sgt, %jit3A_628, %sign3A_637 : i32
      %sign3A_639 = arith.extui %sign3A_638 : i1 to i32
      %sign3A_640 = arith.constant 0 : i32
      %sign3A_641 = arith.cmpi slt, %jit3A_628, %sign3A_640 : i32
      %sign3A_642 = arith.extui %sign3A_641 : i1 to i32
      %sign3A_643 = arith.subi %sign3A_639, %sign3A_642 : i32
      %ne3A_644 = arith.cmpi ne, %sign3A_636, %sign3A_643 : i32
      %rem3A_645 = arith.remsi %add3A_627, %jit3A_628 : i32
      %ne3A_646 = arith.constant 0 : i32
      %ne3A_647 = arith.cmpi ne, %rem3A_645, %ne3A_646 : i32
      %and3A_648 = arith.andi %ne3A_644, %ne3A_647 : i1
      %sub3A_649 = arith.constant 1 : i32
      %sub3A_650 = arith.subi %div3A_629, %sub3A_649 : i32
      %select_n3A_651 = arith.select %and3A_648, %sub3A_650, %div3A_629 : i32
      %jit3A_652 = arith.constant 2 : i32
      %eq3A_653 = arith.constant 0 : i32
      %eq3A_654 = arith.cmpi eq, %jit3A_652, %eq3A_653 : i32
      %jit3A_655 = arith.constant 1 : i32
      %select_n3A_656 = arith.select %eq3A_654, %jit3A_655, %jit3A_652 : i32
      %rem3A_657 = arith.remsi %add3A_627, %select_n3A_656 : i32
      %ne3A_658 = arith.constant 0 : i32
      %ne3A_659 = arith.cmpi ne, %rem3A_657, %ne3A_658 : i32
      %lt3A_660 = arith.constant 0 : i32
      %lt3A_661 = arith.cmpi slt, %rem3A_657, %lt3A_660 : i32
      %lt3A_662 = arith.constant 0 : i32
      %lt3A_663 = arith.cmpi slt, %select_n3A_656, %lt3A_662 : i32
      %ne3A_664 = arith.xori %lt3A_661, %lt3A_663 : i1
      %and3A_665 = arith.andi %ne3A_664, %ne3A_659 : i1
      %add3A_666 = arith.addi %rem3A_657, %select_n3A_656 : i32
      %select_n3A_667 = arith.select %and3A_665, %add3A_666, %rem3A_657 : i32
      %mul3A_668 = arith.constant 64 : i32
      %mul3A_669 = arith.muli %select_n3A_667, %mul3A_668 : i32
      %dma_wait3A_670 = tpu.memref_slice %arg5[%select_n3A_651, %mul3A_669] : memref<50x128xi32, #tpu.memory_space<vmem>> -> memref<1x64xi32, #tpu.memory_space<vmem>>
      %dma_wait3A_671 = tpu.memref_squeeze %dma_wait3A_670 : memref<1x64xi32, #tpu.memory_space<vmem>> -> memref<64xi32, #tpu.memory_space<vmem>>
      %dma_wait3A_672 = arith.constant 0 : i32
      %dma_wait3A_673 = arith.constant 0 : i32
      %dma_wait3A_674 = tpu.memref_slice %arg2[%dma_wait3A_672, %dma_wait3A_673] : memref<100000x128xf32, #tpu.memory_space<hbm>> -> memref<100000x128xf32, #tpu.memory_space<hbm>>
      tpu.wait_indirect_dma semaphore(%arg16 : memref<!tpu.dma_semaphore, #tpu.memory_space<semaphore_mem>>) src(%dma_wait3A_674 : memref<100000x128xf32, #tpu.memory_space<hbm>>) dst(%arg6 : memref<64x128xf32, #tpu.memory_space<vmem>>)
      %mul3A_675 = arith.constant 64 : i32
      %mul3A_676 = arith.muli %select_n3A_667, %mul3A_675 : i32
      %add3A_677 = arith.addi %mul3A_2, %mul3A_676 : i32
      %dma_start3A_678 = arith.constant 0 : i32
      %dma_start3A_679 = tpu.memref_slice %arg4[%select_n3A_651, %add3A_677, %dma_start3A_678] : memref<50x4096x128xf32, #tpu.memory_space<hbm>> -> memref<1x64x128xf32, #tpu.memory_space<hbm>>
      %dma_start3A_680 = tpu.memref_squeeze %dma_start3A_679 : memref<1x64x128xf32, #tpu.memory_space<hbm>> -> memref<64x128xf32, #tpu.memory_space<hbm>>
      %dma_start3A_681 = arith.constant 0 : i32
      %dma_start3A_682 = tpu.memref_slice %arg4[%select_n3A_651, %add3A_677, %dma_start3A_681] : memref<50x4096x128xf32, #tpu.memory_space<hbm>> -> memref<1x64x128xf32, #tpu.memory_space<hbm>>
      %dma_start3A_683 = tpu.memref_squeeze %dma_start3A_682 : memref<1x64x128xf32, #tpu.memory_space<hbm>> -> memref<64x128xf32, #tpu.memory_space<hbm>>
      tpu.enqueue_dma source(%arg6 : memref<64x128xf32, #tpu.memory_space<vmem>>) target(%dma_start3A_683 : memref<64x128xf32, #tpu.memory_space<hbm>>) target_semaphore(%arg26 : memref<!tpu.dma_semaphore, #tpu.memory_space<semaphore_mem>>)
      %mul3A_684 = arith.constant 10 : i32
      %mul3A_685 = arith.muli %scan3A_77, %mul3A_684 : i32
      %add3A_686 = arith.constant 1 : i32
      %add3A_687 = arith.addi %mul3A_685, %add3A_686 : i32
      %jit3A_688 = arith.constant 2 : i32
      %div3A_689 = arith.divsi %add3A_687, %jit3A_688 : i32
      %sign3A_690 = arith.constant 0 : i32
      %sign3A_691 = arith.cmpi sgt, %add3A_687, %sign3A_690 : i32
      %sign3A_692 = arith.extui %sign3A_691 : i1 to i32
      %sign3A_693 = arith.constant 0 : i32
      %sign3A_694 = arith.cmpi slt, %add3A_687, %sign3A_693 : i32
      %sign3A_695 = arith.extui %sign3A_694 : i1 to i32
      %sign3A_696 = arith.subi %sign3A_692, %sign3A_695 : i32
      %sign3A_697 = arith.constant 0 : i32
      %sign3A_698 = arith.cmpi sgt, %jit3A_688, %sign3A_697 : i32
      %sign3A_699 = arith.extui %sign3A_698 : i1 to i32
      %sign3A_700 = arith.constant 0 : i32
      %sign3A_701 = arith.cmpi slt, %jit3A_688, %sign3A_700 : i32
      %sign3A_702 = arith.extui %sign3A_701 : i1 to i32
      %sign3A_703 = arith.subi %sign3A_699, %sign3A_702 : i32
      %ne3A_704 = arith.cmpi ne, %sign3A_696, %sign3A_703 : i32
      %rem3A_705 = arith.remsi %add3A_687, %jit3A_688 : i32
      %ne3A_706 = arith.constant 0 : i32
      %ne3A_707 = arith.cmpi ne, %rem3A_705, %ne3A_706 : i32
      %and3A_708 = arith.andi %ne3A_704, %ne3A_707 : i1
      %sub3A_709 = arith.constant 1 : i32
      %sub3A_710 = arith.subi %div3A_689, %sub3A_709 : i32
      %select_n3A_711 = arith.select %and3A_708, %sub3A_710, %div3A_689 : i32
      %jit3A_712 = arith.constant 2 : i32
      %eq3A_713 = arith.constant 0 : i32
      %eq3A_714 = arith.cmpi eq, %jit3A_712, %eq3A_713 : i32
      %jit3A_715 = arith.constant 1 : i32
      %select_n3A_716 = arith.select %eq3A_714, %jit3A_715, %jit3A_712 : i32
      %rem3A_717 = arith.remsi %add3A_687, %select_n3A_716 : i32
      %ne3A_718 = arith.constant 0 : i32
      %ne3A_719 = arith.cmpi ne, %rem3A_717, %ne3A_718 : i32
      %lt3A_720 = arith.constant 0 : i32
      %lt3A_721 = arith.cmpi slt, %rem3A_717, %lt3A_720 : i32
      %lt3A_722 = arith.constant 0 : i32
      %lt3A_723 = arith.cmpi slt, %select_n3A_716, %lt3A_722 : i32
      %ne3A_724 = arith.xori %lt3A_721, %lt3A_723 : i1
      %and3A_725 = arith.andi %ne3A_724, %ne3A_719 : i1
      %add3A_726 = arith.addi %rem3A_717, %select_n3A_716 : i32
      %select_n3A_727 = arith.select %and3A_725, %add3A_726, %rem3A_717 : i32
      %mul3A_728 = arith.constant 64 : i32
      %mul3A_729 = arith.muli %select_n3A_727, %mul3A_728 : i32
      %dma_wait3A_730 = tpu.memref_slice %arg5[%select_n3A_711, %mul3A_729] : memref<50x128xi32, #tpu.memory_space<vmem>> -> memref<1x64xi32, #tpu.memory_space<vmem>>
      %dma_wait3A_731 = tpu.memref_squeeze %dma_wait3A_730 : memref<1x64xi32, #tpu.memory_space<vmem>> -> memref<64xi32, #tpu.memory_space<vmem>>
      %dma_wait3A_732 = arith.constant 0 : i32
      %dma_wait3A_733 = arith.constant 0 : i32
      %dma_wait3A_734 = tpu.memref_slice %arg2[%dma_wait3A_732, %dma_wait3A_733] : memref<100000x128xf32, #tpu.memory_space<hbm>> -> memref<100000x128xf32, #tpu.memory_space<hbm>>
      tpu.wait_indirect_dma semaphore(%arg17 : memref<!tpu.dma_semaphore, #tpu.memory_space<semaphore_mem>>) src(%dma_wait3A_734 : memref<100000x128xf32, #tpu.memory_space<hbm>>) dst(%arg7 : memref<64x128xf32, #tpu.memory_space<vmem>>)
      %mul3A_735 = arith.constant 64 : i32
      %mul3A_736 = arith.muli %select_n3A_727, %mul3A_735 : i32
      %add3A_737 = arith.addi %mul3A_2, %mul3A_736 : i32
      %dma_start3A_738 = arith.constant 0 : i32
      %dma_start3A_739 = tpu.memref_slice %arg4[%select_n3A_711, %add3A_737, %dma_start3A_738] : memref<50x4096x128xf32, #tpu.memory_space<hbm>> -> memref<1x64x128xf32, #tpu.memory_space<hbm>>
      %dma_start3A_740 = tpu.memref_squeeze %dma_start3A_739 : memref<1x64x128xf32, #tpu.memory_space<hbm>> -> memref<64x128xf32, #tpu.memory_space<hbm>>
      %dma_start3A_741 = arith.constant 0 : i32
      %dma_start3A_742 = tpu.memref_slice %arg4[%select_n3A_711, %add3A_737, %dma_start3A_741] : memref<50x4096x128xf32, #tpu.memory_space<hbm>> -> memref<1x64x128xf32, #tpu.memory_space<hbm>>
      %dma_start3A_743 = tpu.memref_squeeze %dma_start3A_742 : memref<1x64x128xf32, #tpu.memory_space<hbm>> -> memref<64x128xf32, #tpu.memory_space<hbm>>
      tpu.enqueue_dma source(%arg7 : memref<64x128xf32, #tpu.memory_space<vmem>>) target(%dma_start3A_743 : memref<64x128xf32, #tpu.memory_space<hbm>>) target_semaphore(%arg27 : memref<!tpu.dma_semaphore, #tpu.memory_space<semaphore_mem>>)
      %mul3A_744 = arith.constant 10 : i32
      %mul3A_745 = arith.muli %scan3A_77, %mul3A_744 : i32
      %add3A_746 = arith.constant 2 : i32
      %add3A_747 = arith.addi %mul3A_745, %add3A_746 : i32
      %jit3A_748 = arith.constant 2 : i32
      %div3A_749 = arith.divsi %add3A_747, %jit3A_748 : i32
      %sign3A_750 = arith.constant 0 : i32
      %sign3A_751 = arith.cmpi sgt, %add3A_747, %sign3A_750 : i32
      %sign3A_752 = arith.extui %sign3A_751 : i1 to i32
      %sign3A_753 = arith.constant 0 : i32
      %sign3A_754 = arith.cmpi slt, %add3A_747, %sign3A_753 : i32
      %sign3A_755 = arith.extui %sign3A_754 : i1 to i32
      %sign3A_756 = arith.subi %sign3A_752, %sign3A_755 : i32
      %sign3A_757 = arith.constant 0 : i32
      %sign3A_758 = arith.cmpi sgt, %jit3A_748, %sign3A_757 : i32
      %sign3A_759 = arith.extui %sign3A_758 : i1 to i32
      %sign3A_760 = arith.constant 0 : i32
      %sign3A_761 = arith.cmpi slt, %jit3A_748, %sign3A_760 : i32
      %sign3A_762 = arith.extui %sign3A_761 : i1 to i32
      %sign3A_763 = arith.subi %sign3A_759, %sign3A_762 : i32
      %ne3A_764 = arith.cmpi ne, %sign3A_756, %sign3A_763 : i32
      %rem3A_765 = arith.remsi %add3A_747, %jit3A_748 : i32
      %ne3A_766 = arith.constant 0 : i32
      %ne3A_767 = arith.cmpi ne, %rem3A_765, %ne3A_766 : i32
      %and3A_768 = arith.andi %ne3A_764, %ne3A_767 : i1
      %sub3A_769 = arith.constant 1 : i32
      %sub3A_770 = arith.subi %div3A_749, %sub3A_769 : i32
      %select_n3A_771 = arith.select %and3A_768, %sub3A_770, %div3A_749 : i32
      %jit3A_772 = arith.constant 2 : i32
      %eq3A_773 = arith.constant 0 : i32
      %eq3A_774 = arith.cmpi eq, %jit3A_772, %eq3A_773 : i32
      %jit3A_775 = arith.constant 1 : i32
      %select_n3A_776 = arith.select %eq3A_774, %jit3A_775, %jit3A_772 : i32
      %rem3A_777 = arith.remsi %add3A_747, %select_n3A_776 : i32
      %ne3A_778 = arith.constant 0 : i32
      %ne3A_779 = arith.cmpi ne, %rem3A_777, %ne3A_778 : i32
      %lt3A_780 = arith.constant 0 : i32
      %lt3A_781 = arith.cmpi slt, %rem3A_777, %lt3A_780 : i32
      %lt3A_782 = arith.constant 0 : i32
      %lt3A_783 = arith.cmpi slt, %select_n3A_776, %lt3A_782 : i32
      %ne3A_784 = arith.xori %lt3A_781, %lt3A_783 : i1
      %and3A_785 = arith.andi %ne3A_784, %ne3A_779 : i1
      %add3A_786 = arith.addi %rem3A_777, %select_n3A_776 : i32
      %select_n3A_787 = arith.select %and3A_785, %add3A_786, %rem3A_777 : i32
      %mul3A_788 = arith.constant 64 : i32
      %mul3A_789 = arith.muli %select_n3A_787, %mul3A_788 : i32
      %dma_wait3A_790 = tpu.memref_slice %arg5[%select_n3A_771, %mul3A_789] : memref<50x128xi32, #tpu.memory_space<vmem>> -> memref<1x64xi32, #tpu.memory_space<vmem>>
      %dma_wait3A_791 = tpu.memref_squeeze %dma_wait3A_790 : memref<1x64xi32, #tpu.memory_space<vmem>> -> memref<64xi32, #tpu.memory_space<vmem>>
      %dma_wait3A_792 = arith.constant 0 : i32
      %dma_wait3A_793 = arith.constant 0 : i32
      %dma_wait3A_794 = tpu.memref_slice %arg2[%dma_wait3A_792, %dma_wait3A_793] : memref<100000x128xf32, #tpu.memory_space<hbm>> -> memref<100000x128xf32, #tpu.memory_space<hbm>>
      tpu.wait_indirect_dma semaphore(%arg18 : memref<!tpu.dma_semaphore, #tpu.memory_space<semaphore_mem>>) src(%dma_wait3A_794 : memref<100000x128xf32, #tpu.memory_space<hbm>>) dst(%arg8 : memref<64x128xf32, #tpu.memory_space<vmem>>)
      %mul3A_795 = arith.constant 64 : i32
      %mul3A_796 = arith.muli %select_n3A_787, %mul3A_795 : i32
      %add3A_797 = arith.addi %mul3A_2, %mul3A_796 : i32
      %dma_start3A_798 = arith.constant 0 : i32
      %dma_start3A_799 = tpu.memref_slice %arg4[%select_n3A_771, %add3A_797, %dma_start3A_798] : memref<50x4096x128xf32, #tpu.memory_space<hbm>> -> memref<1x64x128xf32, #tpu.memory_space<hbm>>
      %dma_start3A_800 = tpu.memref_squeeze %dma_start3A_799 : memref<1x64x128xf32, #tpu.memory_space<hbm>> -> memref<64x128xf32, #tpu.memory_space<hbm>>
      %dma_start3A_801 = arith.constant 0 : i32
      %dma_start3A_802 = tpu.memref_slice %arg4[%select_n3A_771, %add3A_797, %dma_start3A_801] : memref<50x4096x128xf32, #tpu.memory_space<hbm>> -> memref<1x64x128xf32, #tpu.memory_space<hbm>>
      %dma_start3A_803 = tpu.memref_squeeze %dma_start3A_802 : memref<1x64x128xf32, #tpu.memory_space<hbm>> -> memref<64x128xf32, #tpu.memory_space<hbm>>
      tpu.enqueue_dma source(%arg8 : memref<64x128xf32, #tpu.memory_space<vmem>>) target(%dma_start3A_803 : memref<64x128xf32, #tpu.memory_space<hbm>>) target_semaphore(%arg28 : memref<!tpu.dma_semaphore, #tpu.memory_space<semaphore_mem>>)
      %mul3A_804 = arith.constant 10 : i32
      %mul3A_805 = arith.muli %scan3A_77, %mul3A_804 : i32
      %add3A_806 = arith.constant 3 : i32
      %add3A_807 = arith.addi %mul3A_805, %add3A_806 : i32
      %jit3A_808 = arith.constant 2 : i32
      %div3A_809 = arith.divsi %add3A_807, %jit3A_808 : i32
      %sign3A_810 = arith.constant 0 : i32
      %sign3A_811 = arith.cmpi sgt, %add3A_807, %sign3A_810 : i32
      %sign3A_812 = arith.extui %sign3A_811 : i1 to i32
      %sign3A_813 = arith.constant 0 : i32
      %sign3A_814 = arith.cmpi slt, %add3A_807, %sign3A_813 : i32
      %sign3A_815 = arith.extui %sign3A_814 : i1 to i32
      %sign3A_816 = arith.subi %sign3A_812, %sign3A_815 : i32
      %sign3A_817 = arith.constant 0 : i32
      %sign3A_818 = arith.cmpi sgt, %jit3A_808, %sign3A_817 : i32
      %sign3A_819 = arith.extui %sign3A_818 : i1 to i32
      %sign3A_820 = arith.constant 0 : i32
      %sign3A_821 = arith.cmpi slt, %jit3A_808, %sign3A_820 : i32
      %sign3A_822 = arith.extui %sign3A_821 : i1 to i32
      %sign3A_823 = arith.subi %sign3A_819, %sign3A_822 : i32
      %ne3A_824 = arith.cmpi ne, %sign3A_816, %sign3A_823 : i32
      %rem3A_825 = arith.remsi %add3A_807, %jit3A_808 : i32
      %ne3A_826 = arith.constant 0 : i32
      %ne3A_827 = arith.cmpi ne, %rem3A_825, %ne3A_826 : i32
      %and3A_828 = arith.andi %ne3A_824, %ne3A_827 : i1
      %sub3A_829 = arith.constant 1 : i32
      %sub3A_830 = arith.subi %div3A_809, %sub3A_829 : i32
      %select_n3A_831 = arith.select %and3A_828, %sub3A_830, %div3A_809 : i32
      %jit3A_832 = arith.constant 2 : i32
      %eq3A_833 = arith.constant 0 : i32
      %eq3A_834 = arith.cmpi eq, %jit3A_832, %eq3A_833 : i32
      %jit3A_835 = arith.constant 1 : i32
      %select_n3A_836 = arith.select %eq3A_834, %jit3A_835, %jit3A_832 : i32
      %rem3A_837 = arith.remsi %add3A_807, %select_n3A_836 : i32
      %ne3A_838 = arith.constant 0 : i32
      %ne3A_839 = arith.cmpi ne, %rem3A_837, %ne3A_838 : i32
      %lt3A_840 = arith.constant 0 : i32
      %lt3A_841 = arith.cmpi slt, %rem3A_837, %lt3A_840 : i32
      %lt3A_842 = arith.constant 0 : i32
      %lt3A_843 = arith.cmpi slt, %select_n3A_836, %lt3A_842 : i32
      %ne3A_844 = arith.xori %lt3A_841, %lt3A_843 : i1
      %and3A_845 = arith.andi %ne3A_844, %ne3A_839 : i1
      %add3A_846 = arith.addi %rem3A_837, %select_n3A_836 : i32
      %select_n3A_847 = arith.select %and3A_845, %add3A_846, %rem3A_837 : i32
      %mul3A_848 = arith.constant 64 : i32
      %mul3A_849 = arith.muli %select_n3A_847, %mul3A_848 : i32
      %dma_wait3A_850 = tpu.memref_slice %arg5[%select_n3A_831, %mul3A_849] : memref<50x128xi32, #tpu.memory_space<vmem>> -> memref<1x64xi32, #tpu.memory_space<vmem>>
      %dma_wait3A_851 = tpu.memref_squeeze %dma_wait3A_850 : memref<1x64xi32, #tpu.memory_space<vmem>> -> memref<64xi32, #tpu.memory_space<vmem>>
      %dma_wait3A_852 = arith.constant 0 : i32
      %dma_wait3A_853 = arith.constant 0 : i32
      %dma_wait3A_854 = tpu.memref_slice %arg2[%dma_wait3A_852, %dma_wait3A_853] : memref<100000x128xf32, #tpu.memory_space<hbm>> -> memref<100000x128xf32, #tpu.memory_space<hbm>>
      tpu.wait_indirect_dma semaphore(%arg19 : memref<!tpu.dma_semaphore, #tpu.memory_space<semaphore_mem>>) src(%dma_wait3A_854 : memref<100000x128xf32, #tpu.memory_space<hbm>>) dst(%arg9 : memref<64x128xf32, #tpu.memory_space<vmem>>)
      %mul3A_855 = arith.constant 64 : i32
      %mul3A_856 = arith.muli %select_n3A_847, %mul3A_855 : i32
      %add3A_857 = arith.addi %mul3A_2, %mul3A_856 : i32
      %dma_start3A_858 = arith.constant 0 : i32
      %dma_start3A_859 = tpu.memref_slice %arg4[%select_n3A_831, %add3A_857, %dma_start3A_858] : memref<50x4096x128xf32, #tpu.memory_space<hbm>> -> memref<1x64x128xf32, #tpu.memory_space<hbm>>
      %dma_start3A_860 = tpu.memref_squeeze %dma_start3A_859 : memref<1x64x128xf32, #tpu.memory_space<hbm>> -> memref<64x128xf32, #tpu.memory_space<hbm>>
      %dma_start3A_861 = arith.constant 0 : i32
      %dma_start3A_862 = tpu.memref_slice %arg4[%select_n3A_831, %add3A_857, %dma_start3A_861] : memref<50x4096x128xf32, #tpu.memory_space<hbm>> -> memref<1x64x128xf32, #tpu.memory_space<hbm>>
      %dma_start3A_863 = tpu.memref_squeeze %dma_start3A_862 : memref<1x64x128xf32, #tpu.memory_space<hbm>> -> memref<64x128xf32, #tpu.memory_space<hbm>>
      tpu.enqueue_dma source(%arg9 : memref<64x128xf32, #tpu.memory_space<vmem>>) target(%dma_start3A_863 : memref<64x128xf32, #tpu.memory_space<hbm>>) target_semaphore(%arg29 : memref<!tpu.dma_semaphore, #tpu.memory_space<semaphore_mem>>)
      %mul3A_864 = arith.constant 10 : i32
      %mul3A_865 = arith.muli %scan3A_77, %mul3A_864 : i32
      %add3A_866 = arith.constant 4 : i32
      %add3A_867 = arith.addi %mul3A_865, %add3A_866 : i32
      %jit3A_868 = arith.constant 2 : i32
      %div3A_869 = arith.divsi %add3A_867, %jit3A_868 : i32
      %sign3A_870 = arith.constant 0 : i32
      %sign3A_871 = arith.cmpi sgt, %add3A_867, %sign3A_870 : i32
      %sign3A_872 = arith.extui %sign3A_871 : i1 to i32
      %sign3A_873 = arith.constant 0 : i32
      %sign3A_874 = arith.cmpi slt, %add3A_867, %sign3A_873 : i32
      %sign3A_875 = arith.extui %sign3A_874 : i1 to i32
      %sign3A_876 = arith.subi %sign3A_872, %sign3A_875 : i32
      %sign3A_877 = arith.constant 0 : i32
      %sign3A_878 = arith.cmpi sgt, %jit3A_868, %sign3A_877 : i32
      %sign3A_879 = arith.extui %sign3A_878 : i1 to i32
      %sign3A_880 = arith.constant 0 : i32
      %sign3A_881 = arith.cmpi slt, %jit3A_868, %sign3A_880 : i32
      %sign3A_882 = arith.extui %sign3A_881 : i1 to i32
      %sign3A_883 = arith.subi %sign3A_879, %sign3A_882 : i32
      %ne3A_884 = arith.cmpi ne, %sign3A_876, %sign3A_883 : i32
      %rem3A_885 = arith.remsi %add3A_867, %jit3A_868 : i32
      %ne3A_886 = arith.constant 0 : i32
      %ne3A_887 = arith.cmpi ne, %rem3A_885, %ne3A_886 : i32
      %and3A_888 = arith.andi %ne3A_884, %ne3A_887 : i1
      %sub3A_889 = arith.constant 1 : i32
      %sub3A_890 = arith.subi %div3A_869, %sub3A_889 : i32
      %select_n3A_891 = arith.select %and3A_888, %sub3A_890, %div3A_869 : i32
      %jit3A_892 = arith.constant 2 : i32
      %eq3A_893 = arith.constant 0 : i32
      %eq3A_894 = arith.cmpi eq, %jit3A_892, %eq3A_893 : i32
      %jit3A_895 = arith.constant 1 : i32
      %select_n3A_896 = arith.select %eq3A_894, %jit3A_895, %jit3A_892 : i32
      %rem3A_897 = arith.remsi %add3A_867, %select_n3A_896 : i32
      %ne3A_898 = arith.constant 0 : i32
      %ne3A_899 = arith.cmpi ne, %rem3A_897, %ne3A_898 : i32
      %lt3A_900 = arith.constant 0 : i32
      %lt3A_901 = arith.cmpi slt, %rem3A_897, %lt3A_900 : i32
      %lt3A_902 = arith.constant 0 : i32
      %lt3A_903 = arith.cmpi slt, %select_n3A_896, %lt3A_902 : i32
      %ne3A_904 = arith.xori %lt3A_901, %lt3A_903 : i1
      %and3A_905 = arith.andi %ne3A_904, %ne3A_899 : i1
      %add3A_906 = arith.addi %rem3A_897, %select_n3A_896 : i32
      %select_n3A_907 = arith.select %and3A_905, %add3A_906, %rem3A_897 : i32
      %mul3A_908 = arith.constant 64 : i32
      %mul3A_909 = arith.muli %select_n3A_907, %mul3A_908 : i32
      %dma_wait3A_910 = tpu.memref_slice %arg5[%select_n3A_891, %mul3A_909] : memref<50x128xi32, #tpu.memory_space<vmem>> -> memref<1x64xi32, #tpu.memory_space<vmem>>
      %dma_wait3A_911 = tpu.memref_squeeze %dma_wait3A_910 : memref<1x64xi32, #tpu.memory_space<vmem>> -> memref<64xi32, #tpu.memory_space<vmem>>
      %dma_wait3A_912 = arith.constant 0 : i32
      %dma_wait3A_913 = arith.constant 0 : i32
      %dma_wait3A_914 = tpu.memref_slice %arg2[%dma_wait3A_912, %dma_wait3A_913] : memref<100000x128xf32, #tpu.memory_space<hbm>> -> memref<100000x128xf32, #tpu.memory_space<hbm>>
      tpu.wait_indirect_dma semaphore(%arg20 : memref<!tpu.dma_semaphore, #tpu.memory_space<semaphore_mem>>) src(%dma_wait3A_914 : memref<100000x128xf32, #tpu.memory_space<hbm>>) dst(%arg10 : memref<64x128xf32, #tpu.memory_space<vmem>>)
      %mul3A_915 = arith.constant 64 : i32
      %mul3A_916 = arith.muli %select_n3A_907, %mul3A_915 : i32
      %add3A_917 = arith.addi %mul3A_2, %mul3A_916 : i32
      %dma_start3A_918 = arith.constant 0 : i32
      %dma_start3A_919 = tpu.memref_slice %arg4[%select_n3A_891, %add3A_917, %dma_start3A_918] : memref<50x4096x128xf32, #tpu.memory_space<hbm>> -> memref<1x64x128xf32, #tpu.memory_space<hbm>>
      %dma_start3A_920 = tpu.memref_squeeze %dma_start3A_919 : memref<1x64x128xf32, #tpu.memory_space<hbm>> -> memref<64x128xf32, #tpu.memory_space<hbm>>
      %dma_start3A_921 = arith.constant 0 : i32
      %dma_start3A_922 = tpu.memref_slice %arg4[%select_n3A_891, %add3A_917, %dma_start3A_921] : memref<50x4096x128xf32, #tpu.memory_space<hbm>> -> memref<1x64x128xf32, #tpu.memory_space<hbm>>
      %dma_start3A_923 = tpu.memref_squeeze %dma_start3A_922 : memref<1x64x128xf32, #tpu.memory_space<hbm>> -> memref<64x128xf32, #tpu.memory_space<hbm>>
      tpu.enqueue_dma source(%arg10 : memref<64x128xf32, #tpu.memory_space<vmem>>) target(%dma_start3A_923 : memref<64x128xf32, #tpu.memory_space<hbm>>) target_semaphore(%arg30 : memref<!tpu.dma_semaphore, #tpu.memory_space<semaphore_mem>>)
      %mul3A_924 = arith.constant 10 : i32
      %mul3A_925 = arith.muli %scan3A_77, %mul3A_924 : i32
      %add3A_926 = arith.constant 5 : i32
      %add3A_927 = arith.addi %mul3A_925, %add3A_926 : i32
      %jit3A_928 = arith.constant 2 : i32
      %div3A_929 = arith.divsi %add3A_927, %jit3A_928 : i32
      %sign3A_930 = arith.constant 0 : i32
      %sign3A_931 = arith.cmpi sgt, %add3A_927, %sign3A_930 : i32
      %sign3A_932 = arith.extui %sign3A_931 : i1 to i32
      %sign3A_933 = arith.constant 0 : i32
      %sign3A_934 = arith.cmpi slt, %add3A_927, %sign3A_933 : i32
      %sign3A_935 = arith.extui %sign3A_934 : i1 to i32
      %sign3A_936 = arith.subi %sign3A_932, %sign3A_935 : i32
      %sign3A_937 = arith.constant 0 : i32
      %sign3A_938 = arith.cmpi sgt, %jit3A_928, %sign3A_937 : i32
      %sign3A_939 = arith.extui %sign3A_938 : i1 to i32
      %sign3A_940 = arith.constant 0 : i32
      %sign3A_941 = arith.cmpi slt, %jit3A_928, %sign3A_940 : i32
      %sign3A_942 = arith.extui %sign3A_941 : i1 to i32
      %sign3A_943 = arith.subi %sign3A_939, %sign3A_942 : i32
      %ne3A_944 = arith.cmpi ne, %sign3A_936, %sign3A_943 : i32
      %rem3A_945 = arith.remsi %add3A_927, %jit3A_928 : i32
      %ne3A_946 = arith.constant 0 : i32
      %ne3A_947 = arith.cmpi ne, %rem3A_945, %ne3A_946 : i32
      %and3A_948 = arith.andi %ne3A_944, %ne3A_947 : i1
      %sub3A_949 = arith.constant 1 : i32
      %sub3A_950 = arith.subi %div3A_929, %sub3A_949 : i32
      %select_n3A_951 = arith.select %and3A_948, %sub3A_950, %div3A_929 : i32
      %jit3A_952 = arith.constant 2 : i32
      %eq3A_953 = arith.constant 0 : i32
      %eq3A_954 = arith.cmpi eq, %jit3A_952, %eq3A_953 : i32
      %jit3A_955 = arith.constant 1 : i32
      %select_n3A_956 = arith.select %eq3A_954, %jit3A_955, %jit3A_952 : i32
      %rem3A_957 = arith.remsi %add3A_927, %select_n3A_956 : i32
      %ne3A_958 = arith.constant 0 : i32
      %ne3A_959 = arith.cmpi ne, %rem3A_957, %ne3A_958 : i32
      %lt3A_960 = arith.constant 0 : i32
      %lt3A_961 = arith.cmpi slt, %rem3A_957, %lt3A_960 : i32
      %lt3A_962 = arith.constant 0 : i32
      %lt3A_963 = arith.cmpi slt, %select_n3A_956, %lt3A_962 : i32
      %ne3A_964 = arith.xori %lt3A_961, %lt3A_963 : i1
      %and3A_965 = arith.andi %ne3A_964, %ne3A_959 : i1
      %add3A_966 = arith.addi %rem3A_957, %select_n3A_956 : i32
      %select_n3A_967 = arith.select %and3A_965, %add3A_966, %rem3A_957 : i32
      %mul3A_968 = arith.constant 64 : i32
      %mul3A_969 = arith.muli %select_n3A_967, %mul3A_968 : i32
      %dma_wait3A_970 = tpu.memref_slice %arg5[%select_n3A_951, %mul3A_969] : memref<50x128xi32, #tpu.memory_space<vmem>> -> memref<1x64xi32, #tpu.memory_space<vmem>>
      %dma_wait3A_971 = tpu.memref_squeeze %dma_wait3A_970 : memref<1x64xi32, #tpu.memory_space<vmem>> -> memref<64xi32, #tpu.memory_space<vmem>>
      %dma_wait3A_972 = arith.constant 0 : i32
      %dma_wait3A_973 = arith.constant 0 : i32
      %dma_wait3A_974 = tpu.memref_slice %arg2[%dma_wait3A_972, %dma_wait3A_973] : memref<100000x128xf32, #tpu.memory_space<hbm>> -> memref<100000x128xf32, #tpu.memory_space<hbm>>
      tpu.wait_indirect_dma semaphore(%arg21 : memref<!tpu.dma_semaphore, #tpu.memory_space<semaphore_mem>>) src(%dma_wait3A_974 : memref<100000x128xf32, #tpu.memory_space<hbm>>) dst(%arg11 : memref<64x128xf32, #tpu.memory_space<vmem>>)
      %mul3A_975 = arith.constant 64 : i32
      %mul3A_976 = arith.muli %select_n3A_967, %mul3A_975 : i32
      %add3A_977 = arith.addi %mul3A_2, %mul3A_976 : i32
      %dma_start3A_978 = arith.constant 0 : i32
      %dma_start3A_979 = tpu.memref_slice %arg4[%select_n3A_951, %add3A_977, %dma_start3A_978] : memref<50x4096x128xf32, #tpu.memory_space<hbm>> -> memref<1x64x128xf32, #tpu.memory_space<hbm>>
      %dma_start3A_980 = tpu.memref_squeeze %dma_start3A_979 : memref<1x64x128xf32, #tpu.memory_space<hbm>> -> memref<64x128xf32, #tpu.memory_space<hbm>>
      %dma_start3A_981 = arith.constant 0 : i32
      %dma_start3A_982 = tpu.memref_slice %arg4[%select_n3A_951, %add3A_977, %dma_start3A_981] : memref<50x4096x128xf32, #tpu.memory_space<hbm>> -> memref<1x64x128xf32, #tpu.memory_space<hbm>>
      %dma_start3A_983 = tpu.memref_squeeze %dma_start3A_982 : memref<1x64x128xf32, #tpu.memory_space<hbm>> -> memref<64x128xf32, #tpu.memory_space<hbm>>
      tpu.enqueue_dma source(%arg11 : memref<64x128xf32, #tpu.memory_space<vmem>>) target(%dma_start3A_983 : memref<64x128xf32, #tpu.memory_space<hbm>>) target_semaphore(%arg31 : memref<!tpu.dma_semaphore, #tpu.memory_space<semaphore_mem>>)
      %mul3A_984 = arith.constant 10 : i32
      %mul3A_985 = arith.muli %scan3A_77, %mul3A_984 : i32
      %add3A_986 = arith.constant 6 : i32
      %add3A_987 = arith.addi %mul3A_985, %add3A_986 : i32
      %jit3A_988 = arith.constant 2 : i32
      %div3A_989 = arith.divsi %add3A_987, %jit3A_988 : i32
      %sign3A_990 = arith.constant 0 : i32
      %sign3A_991 = arith.cmpi sgt, %add3A_987, %sign3A_990 : i32
      %sign3A_992 = arith.extui %sign3A_991 : i1 to i32
      %sign3A_993 = arith.constant 0 : i32
      %sign3A_994 = arith.cmpi slt, %add3A_987, %sign3A_993 : i32
      %sign3A_995 = arith.extui %sign3A_994 : i1 to i32
      %sign3A_996 = arith.subi %sign3A_992, %sign3A_995 : i32
      %sign3A_997 = arith.constant 0 : i32
      %sign3A_998 = arith.cmpi sgt, %jit3A_988, %sign3A_997 : i32
      %sign3A_999 = arith.extui %sign3A_998 : i1 to i32
      %sign3A_1000 = arith.constant 0 : i32
      %sign3A_1001 = arith.cmpi slt, %jit3A_988, %sign3A_1000 : i32
      %sign3A_1002 = arith.extui %sign3A_1001 : i1 to i32
      %sign3A_1003 = arith.subi %sign3A_999, %sign3A_1002 : i32
      %ne3A_1004 = arith.cmpi ne, %sign3A_996, %sign3A_1003 : i32
      %rem3A_1005 = arith.remsi %add3A_987, %jit3A_988 : i32
      %ne3A_1006 = arith.constant 0 : i32
      %ne3A_1007 = arith.cmpi ne, %rem3A_1005, %ne3A_1006 : i32
      %and3A_1008 = arith.andi %ne3A_1004, %ne3A_1007 : i1
      %sub3A_1009 = arith.constant 1 : i32
      %sub3A_1010 = arith.subi %div3A_989, %sub3A_1009 : i32
      %select_n3A_1011 = arith.select %and3A_1008, %sub3A_1010, %div3A_989 : i32
      %jit3A_1012 = arith.constant 2 : i32
      %eq3A_1013 = arith.constant 0 : i32
      %eq3A_1014 = arith.cmpi eq, %jit3A_1012, %eq3A_1013 : i32
      %jit3A_1015 = arith.constant 1 : i32
      %select_n3A_1016 = arith.select %eq3A_1014, %jit3A_1015, %jit3A_1012 : i32
      %rem3A_1017 = arith.remsi %add3A_987, %select_n3A_1016 : i32
      %ne3A_1018 = arith.constant 0 : i32
      %ne3A_1019 = arith.cmpi ne, %rem3A_1017, %ne3A_1018 : i32
      %lt3A_1020 = arith.constant 0 : i32
      %lt3A_1021 = arith.cmpi slt, %rem3A_1017, %lt3A_1020 : i32
      %lt3A_1022 = arith.constant 0 : i32
      %lt3A_1023 = arith.cmpi slt, %select_n3A_1016, %lt3A_1022 : i32
      %ne3A_1024 = arith.xori %lt3A_1021, %lt3A_1023 : i1
      %and3A_1025 = arith.andi %ne3A_1024, %ne3A_1019 : i1
      %add3A_1026 = arith.addi %rem3A_1017, %select_n3A_1016 : i32
      %select_n3A_1027 = arith.select %and3A_1025, %add3A_1026, %rem3A_1017 : i32
      %mul3A_1028 = arith.constant 64 : i32
      %mul3A_1029 = arith.muli %select_n3A_1027, %mul3A_1028 : i32
      %dma_wait3A_1030 = tpu.memref_slice %arg5[%select_n3A_1011, %mul3A_1029] : memref<50x128xi32, #tpu.memory_space<vmem>> -> memref<1x64xi32, #tpu.memory_space<vmem>>
      %dma_wait3A_1031 = tpu.memref_squeeze %dma_wait3A_1030 : memref<1x64xi32, #tpu.memory_space<vmem>> -> memref<64xi32, #tpu.memory_space<vmem>>
      %dma_wait3A_1032 = arith.constant 0 : i32
      %dma_wait3A_1033 = arith.constant 0 : i32
      %dma_wait3A_1034 = tpu.memref_slice %arg2[%dma_wait3A_1032, %dma_wait3A_1033] : memref<100000x128xf32, #tpu.memory_space<hbm>> -> memref<100000x128xf32, #tpu.memory_space<hbm>>
      tpu.wait_indirect_dma semaphore(%arg22 : memref<!tpu.dma_semaphore, #tpu.memory_space<semaphore_mem>>) src(%dma_wait3A_1034 : memref<100000x128xf32, #tpu.memory_space<hbm>>) dst(%arg12 : memref<64x128xf32, #tpu.memory_space<vmem>>)
      %mul3A_1035 = arith.constant 64 : i32
      %mul3A_1036 = arith.muli %select_n3A_1027, %mul3A_1035 : i32
      %add3A_1037 = arith.addi %mul3A_2, %mul3A_1036 : i32
      %dma_start3A_1038 = arith.constant 0 : i32
      %dma_start3A_1039 = tpu.memref_slice %arg4[%select_n3A_1011, %add3A_1037, %dma_start3A_1038] : memref<50x4096x128xf32, #tpu.memory_space<hbm>> -> memref<1x64x128xf32, #tpu.memory_space<hbm>>
      %dma_start3A_1040 = tpu.memref_squeeze %dma_start3A_1039 : memref<1x64x128xf32, #tpu.memory_space<hbm>> -> memref<64x128xf32, #tpu.memory_space<hbm>>
      %dma_start3A_1041 = arith.constant 0 : i32
      %dma_start3A_1042 = tpu.memref_slice %arg4[%select_n3A_1011, %add3A_1037, %dma_start3A_1041] : memref<50x4096x128xf32, #tpu.memory_space<hbm>> -> memref<1x64x128xf32, #tpu.memory_space<hbm>>
      %dma_start3A_1043 = tpu.memref_squeeze %dma_start3A_1042 : memref<1x64x128xf32, #tpu.memory_space<hbm>> -> memref<64x128xf32, #tpu.memory_space<hbm>>
      tpu.enqueue_dma source(%arg12 : memref<64x128xf32, #tpu.memory_space<vmem>>) target(%dma_start3A_1043 : memref<64x128xf32, #tpu.memory_space<hbm>>) target_semaphore(%arg32 : memref<!tpu.dma_semaphore, #tpu.memory_space<semaphore_mem>>)
      %mul3A_1044 = arith.constant 10 : i32
      %mul3A_1045 = arith.muli %scan3A_77, %mul3A_1044 : i32
      %add3A_1046 = arith.constant 7 : i32
      %add3A_1047 = arith.addi %mul3A_1045, %add3A_1046 : i32
      %jit3A_1048 = arith.constant 2 : i32
      %div3A_1049 = arith.divsi %add3A_1047, %jit3A_1048 : i32
      %sign3A_1050 = arith.constant 0 : i32
      %sign3A_1051 = arith.cmpi sgt, %add3A_1047, %sign3A_1050 : i32
      %sign3A_1052 = arith.extui %sign3A_1051 : i1 to i32
      %sign3A_1053 = arith.constant 0 : i32
      %sign3A_1054 = arith.cmpi slt, %add3A_1047, %sign3A_1053 : i32
      %sign3A_1055 = arith.extui %sign3A_1054 : i1 to i32
      %sign3A_1056 = arith.subi %sign3A_1052, %sign3A_1055 : i32
      %sign3A_1057 = arith.constant 0 : i32
      %sign3A_1058 = arith.cmpi sgt, %jit3A_1048, %sign3A_1057 : i32
      %sign3A_1059 = arith.extui %sign3A_1058 : i1 to i32
      %sign3A_1060 = arith.constant 0 : i32
      %sign3A_1061 = arith.cmpi slt, %jit3A_1048, %sign3A_1060 : i32
      %sign3A_1062 = arith.extui %sign3A_1061 : i1 to i32
      %sign3A_1063 = arith.subi %sign3A_1059, %sign3A_1062 : i32
      %ne3A_1064 = arith.cmpi ne, %sign3A_1056, %sign3A_1063 : i32
      %rem3A_1065 = arith.remsi %add3A_1047, %jit3A_1048 : i32
      %ne3A_1066 = arith.constant 0 : i32
      %ne3A_1067 = arith.cmpi ne, %rem3A_1065, %ne3A_1066 : i32
      %and3A_1068 = arith.andi %ne3A_1064, %ne3A_1067 : i1
      %sub3A_1069 = arith.constant 1 : i32
      %sub3A_1070 = arith.subi %div3A_1049, %sub3A_1069 : i32
      %select_n3A_1071 = arith.select %and3A_1068, %sub3A_1070, %div3A_1049 : i32
      %jit3A_1072 = arith.constant 2 : i32
      %eq3A_1073 = arith.constant 0 : i32
      %eq3A_1074 = arith.cmpi eq, %jit3A_1072, %eq3A_1073 : i32
      %jit3A_1075 = arith.constant 1 : i32
      %select_n3A_1076 = arith.select %eq3A_1074, %jit3A_1075, %jit3A_1072 : i32
      %rem3A_1077 = arith.remsi %add3A_1047, %select_n3A_1076 : i32
      %ne3A_1078 = arith.constant 0 : i32
      %ne3A_1079 = arith.cmpi ne, %rem3A_1077, %ne3A_1078 : i32
      %lt3A_1080 = arith.constant 0 : i32
      %lt3A_1081 = arith.cmpi slt, %rem3A_1077, %lt3A_1080 : i32
      %lt3A_1082 = arith.constant 0 : i32
      %lt3A_1083 = arith.cmpi slt, %select_n3A_1076, %lt3A_1082 : i32
      %ne3A_1084 = arith.xori %lt3A_1081, %lt3A_1083 : i1
      %and3A_1085 = arith.andi %ne3A_1084, %ne3A_1079 : i1
      %add3A_1086 = arith.addi %rem3A_1077, %select_n3A_1076 : i32
      %select_n3A_1087 = arith.select %and3A_1085, %add3A_1086, %rem3A_1077 : i32
      %mul3A_1088 = arith.constant 64 : i32
      %mul3A_1089 = arith.muli %select_n3A_1087, %mul3A_1088 : i32
      %dma_wait3A_1090 = tpu.memref_slice %arg5[%select_n3A_1071, %mul3A_1089] : memref<50x128xi32, #tpu.memory_space<vmem>> -> memref<1x64xi32, #tpu.memory_space<vmem>>
      %dma_wait3A_1091 = tpu.memref_squeeze %dma_wait3A_1090 : memref<1x64xi32, #tpu.memory_space<vmem>> -> memref<64xi32, #tpu.memory_space<vmem>>
      %dma_wait3A_1092 = arith.constant 0 : i32
      %dma_wait3A_1093 = arith.constant 0 : i32
      %dma_wait3A_1094 = tpu.memref_slice %arg2[%dma_wait3A_1092, %dma_wait3A_1093] : memref<100000x128xf32, #tpu.memory_space<hbm>> -> memref<100000x128xf32, #tpu.memory_space<hbm>>
      tpu.wait_indirect_dma semaphore(%arg23 : memref<!tpu.dma_semaphore, #tpu.memory_space<semaphore_mem>>) src(%dma_wait3A_1094 : memref<100000x128xf32, #tpu.memory_space<hbm>>) dst(%arg13 : memref<64x128xf32, #tpu.memory_space<vmem>>)
      %mul3A_1095 = arith.constant 64 : i32
      %mul3A_1096 = arith.muli %select_n3A_1087, %mul3A_1095 : i32
      %add3A_1097 = arith.addi %mul3A_2, %mul3A_1096 : i32
      %dma_start3A_1098 = arith.constant 0 : i32
      %dma_start3A_1099 = tpu.memref_slice %arg4[%select_n3A_1071, %add3A_1097, %dma_start3A_1098] : memref<50x4096x128xf32, #tpu.memory_space<hbm>> -> memref<1x64x128xf32, #tpu.memory_space<hbm>>
      %dma_start3A_1100 = tpu.memref_squeeze %dma_start3A_1099 : memref<1x64x128xf32, #tpu.memory_space<hbm>> -> memref<64x128xf32, #tpu.memory_space<hbm>>
      %dma_start3A_1101 = arith.constant 0 : i32
      %dma_start3A_1102 = tpu.memref_slice %arg4[%select_n3A_1071, %add3A_1097, %dma_start3A_1101] : memref<50x4096x128xf32, #tpu.memory_space<hbm>> -> memref<1x64x128xf32, #tpu.memory_space<hbm>>
      %dma_start3A_1103 = tpu.memref_squeeze %dma_start3A_1102 : memref<1x64x128xf32, #tpu.memory_space<hbm>> -> memref<64x128xf32, #tpu.memory_space<hbm>>
      tpu.enqueue_dma source(%arg13 : memref<64x128xf32, #tpu.memory_space<vmem>>) target(%dma_start3A_1103 : memref<64x128xf32, #tpu.memory_space<hbm>>) target_semaphore(%arg33 : memref<!tpu.dma_semaphore, #tpu.memory_space<semaphore_mem>>)
      %mul3A_1104 = arith.constant 10 : i32
      %mul3A_1105 = arith.muli %scan3A_77, %mul3A_1104 : i32
      %add3A_1106 = arith.constant 8 : i32
      %add3A_1107 = arith.addi %mul3A_1105, %add3A_1106 : i32
      %jit3A_1108 = arith.constant 2 : i32
      %div3A_1109 = arith.divsi %add3A_1107, %jit3A_1108 : i32
      %sign3A_1110 = arith.constant 0 : i32
      %sign3A_1111 = arith.cmpi sgt, %add3A_1107, %sign3A_1110 : i32
      %sign3A_1112 = arith.extui %sign3A_1111 : i1 to i32
      %sign3A_1113 = arith.constant 0 : i32
      %sign3A_1114 = arith.cmpi slt, %add3A_1107, %sign3A_1113 : i32
      %sign3A_1115 = arith.extui %sign3A_1114 : i1 to i32
      %sign3A_1116 = arith.subi %sign3A_1112, %sign3A_1115 : i32
      %sign3A_1117 = arith.constant 0 : i32
      %sign3A_1118 = arith.cmpi sgt, %jit3A_1108, %sign3A_1117 : i32
      %sign3A_1119 = arith.extui %sign3A_1118 : i1 to i32
      %sign3A_1120 = arith.constant 0 : i32
      %sign3A_1121 = arith.cmpi slt, %jit3A_1108, %sign3A_1120 : i32
      %sign3A_1122 = arith.extui %sign3A_1121 : i1 to i32
      %sign3A_1123 = arith.subi %sign3A_1119, %sign3A_1122 : i32
      %ne3A_1124 = arith.cmpi ne, %sign3A_1116, %sign3A_1123 : i32
      %rem3A_1125 = arith.remsi %add3A_1107, %jit3A_1108 : i32
      %ne3A_1126 = arith.constant 0 : i32
      %ne3A_1127 = arith.cmpi ne, %rem3A_1125, %ne3A_1126 : i32
      %and3A_1128 = arith.andi %ne3A_1124, %ne3A_1127 : i1
      %sub3A_1129 = arith.constant 1 : i32
      %sub3A_1130 = arith.subi %div3A_1109, %sub3A_1129 : i32
      %select_n3A_1131 = arith.select %and3A_1128, %sub3A_1130, %div3A_1109 : i32
      %jit3A_1132 = arith.constant 2 : i32
      %eq3A_1133 = arith.constant 0 : i32
      %eq3A_1134 = arith.cmpi eq, %jit3A_1132, %eq3A_1133 : i32
      %jit3A_1135 = arith.constant 1 : i32
      %select_n3A_1136 = arith.select %eq3A_1134, %jit3A_1135, %jit3A_1132 : i32
      %rem3A_1137 = arith.remsi %add3A_1107, %select_n3A_1136 : i32
      %ne3A_1138 = arith.constant 0 : i32
      %ne3A_1139 = arith.cmpi ne, %rem3A_1137, %ne3A_1138 : i32
      %lt3A_1140 = arith.constant 0 : i32
      %lt3A_1141 = arith.cmpi slt, %rem3A_1137, %lt3A_1140 : i32
      %lt3A_1142 = arith.constant 0 : i32
      %lt3A_1143 = arith.cmpi slt, %select_n3A_1136, %lt3A_1142 : i32
      %ne3A_1144 = arith.xori %lt3A_1141, %lt3A_1143 : i1
      %and3A_1145 = arith.andi %ne3A_1144, %ne3A_1139 : i1
      %add3A_1146 = arith.addi %rem3A_1137, %select_n3A_1136 : i32
      %select_n3A_1147 = arith.select %and3A_1145, %add3A_1146, %rem3A_1137 : i32
      %mul3A_1148 = arith.constant 64 : i32
      %mul3A_1149 = arith.muli %select_n3A_1147, %mul3A_1148 : i32
      %dma_wait3A_1150 = tpu.memref_slice %arg5[%select_n3A_1131, %mul3A_1149] : memref<50x128xi32, #tpu.memory_space<vmem>> -> memref<1x64xi32, #tpu.memory_space<vmem>>
      %dma_wait3A_1151 = tpu.memref_squeeze %dma_wait3A_1150 : memref<1x64xi32, #tpu.memory_space<vmem>> -> memref<64xi32, #tpu.memory_space<vmem>>
      %dma_wait3A_1152 = arith.constant 0 : i32
      %dma_wait3A_1153 = arith.constant 0 : i32
      %dma_wait3A_1154 = tpu.memref_slice %arg2[%dma_wait3A_1152, %dma_wait3A_1153] : memref<100000x128xf32, #tpu.memory_space<hbm>> -> memref<100000x128xf32, #tpu.memory_space<hbm>>
      tpu.wait_indirect_dma semaphore(%arg24 : memref<!tpu.dma_semaphore, #tpu.memory_space<semaphore_mem>>) src(%dma_wait3A_1154 : memref<100000x128xf32, #tpu.memory_space<hbm>>) dst(%arg14 : memref<64x128xf32, #tpu.memory_space<vmem>>)
      %mul3A_1155 = arith.constant 64 : i32
      %mul3A_1156 = arith.muli %select_n3A_1147, %mul3A_1155 : i32
      %add3A_1157 = arith.addi %mul3A_2, %mul3A_1156 : i32
      %dma_start3A_1158 = arith.constant 0 : i32
      %dma_start3A_1159 = tpu.memref_slice %arg4[%select_n3A_1131, %add3A_1157, %dma_start3A_1158] : memref<50x4096x128xf32, #tpu.memory_space<hbm>> -> memref<1x64x128xf32, #tpu.memory_space<hbm>>
      %dma_start3A_1160 = tpu.memref_squeeze %dma_start3A_1159 : memref<1x64x128xf32, #tpu.memory_space<hbm>> -> memref<64x128xf32, #tpu.memory_space<hbm>>
      %dma_start3A_1161 = arith.constant 0 : i32
      %dma_start3A_1162 = tpu.memref_slice %arg4[%select_n3A_1131, %add3A_1157, %dma_start3A_1161] : memref<50x4096x128xf32, #tpu.memory_space<hbm>> -> memref<1x64x128xf32, #tpu.memory_space<hbm>>
      %dma_start3A_1163 = tpu.memref_squeeze %dma_start3A_1162 : memref<1x64x128xf32, #tpu.memory_space<hbm>> -> memref<64x128xf32, #tpu.memory_space<hbm>>
      tpu.enqueue_dma source(%arg14 : memref<64x128xf32, #tpu.memory_space<vmem>>) target(%dma_start3A_1163 : memref<64x128xf32, #tpu.memory_space<hbm>>) target_semaphore(%arg34 : memref<!tpu.dma_semaphore, #tpu.memory_space<semaphore_mem>>)
      %mul3A_1164 = arith.constant 10 : i32
      %mul3A_1165 = arith.muli %scan3A_77, %mul3A_1164 : i32
      %add3A_1166 = arith.constant 9 : i32
      %add3A_1167 = arith.addi %mul3A_1165, %add3A_1166 : i32
      %jit3A_1168 = arith.constant 2 : i32
      %div3A_1169 = arith.divsi %add3A_1167, %jit3A_1168 : i32
      %sign3A_1170 = arith.constant 0 : i32
      %sign3A_1171 = arith.cmpi sgt, %add3A_1167, %sign3A_1170 : i32
      %sign3A_1172 = arith.extui %sign3A_1171 : i1 to i32
      %sign3A_1173 = arith.constant 0 : i32
      %sign3A_1174 = arith.cmpi slt, %add3A_1167, %sign3A_1173 : i32
      %sign3A_1175 = arith.extui %sign3A_1174 : i1 to i32
      %sign3A_1176 = arith.subi %sign3A_1172, %sign3A_1175 : i32
      %sign3A_1177 = arith.constant 0 : i32
      %sign3A_1178 = arith.cmpi sgt, %jit3A_1168, %sign3A_1177 : i32
      %sign3A_1179 = arith.extui %sign3A_1178 : i1 to i32
      %sign3A_1180 = arith.constant 0 : i32
      %sign3A_1181 = arith.cmpi slt, %jit3A_1168, %sign3A_1180 : i32
      %sign3A_1182 = arith.extui %sign3A_1181 : i1 to i32
      %sign3A_1183 = arith.subi %sign3A_1179, %sign3A_1182 : i32
      %ne3A_1184 = arith.cmpi ne, %sign3A_1176, %sign3A_1183 : i32
      %rem3A_1185 = arith.remsi %add3A_1167, %jit3A_1168 : i32
      %ne3A_1186 = arith.constant 0 : i32
      %ne3A_1187 = arith.cmpi ne, %rem3A_1185, %ne3A_1186 : i32
      %and3A_1188 = arith.andi %ne3A_1184, %ne3A_1187 : i1
      %sub3A_1189 = arith.constant 1 : i32
      %sub3A_1190 = arith.subi %div3A_1169, %sub3A_1189 : i32
      %select_n3A_1191 = arith.select %and3A_1188, %sub3A_1190, %div3A_1169 : i32
      %jit3A_1192 = arith.constant 2 : i32
      %eq3A_1193 = arith.constant 0 : i32
      %eq3A_1194 = arith.cmpi eq, %jit3A_1192, %eq3A_1193 : i32
      %jit3A_1195 = arith.constant 1 : i32
      %select_n3A_1196 = arith.select %eq3A_1194, %jit3A_1195, %jit3A_1192 : i32
      %rem3A_1197 = arith.remsi %add3A_1167, %select_n3A_1196 : i32
      %ne3A_1198 = arith.constant 0 : i32
      %ne3A_1199 = arith.cmpi ne, %rem3A_1197, %ne3A_1198 : i32
      %lt3A_1200 = arith.constant 0 : i32
      %lt3A_1201 = arith.cmpi slt, %rem3A_1197, %lt3A_1200 : i32
      %lt3A_1202 = arith.constant 0 : i32
      %lt3A_1203 = arith.cmpi slt, %select_n3A_1196, %lt3A_1202 : i32
      %ne3A_1204 = arith.xori %lt3A_1201, %lt3A_1203 : i1
      %and3A_1205 = arith.andi %ne3A_1204, %ne3A_1199 : i1
      %add3A_1206 = arith.addi %rem3A_1197, %select_n3A_1196 : i32
      %select_n3A_1207 = arith.select %and3A_1205, %add3A_1206, %rem3A_1197 : i32
      %mul3A_1208 = arith.constant 64 : i32
      %mul3A_1209 = arith.muli %select_n3A_1207, %mul3A_1208 : i32
      %dma_wait3A_1210 = tpu.memref_slice %arg5[%select_n3A_1191, %mul3A_1209] : memref<50x128xi32, #tpu.memory_space<vmem>> -> memref<1x64xi32, #tpu.memory_space<vmem>>
      %dma_wait3A_1211 = tpu.memref_squeeze %dma_wait3A_1210 : memref<1x64xi32, #tpu.memory_space<vmem>> -> memref<64xi32, #tpu.memory_space<vmem>>
      %dma_wait3A_1212 = arith.constant 0 : i32
      %dma_wait3A_1213 = arith.constant 0 : i32
      %dma_wait3A_1214 = tpu.memref_slice %arg2[%dma_wait3A_1212, %dma_wait3A_1213] : memref<100000x128xf32, #tpu.memory_space<hbm>> -> memref<100000x128xf32, #tpu.memory_space<hbm>>
      tpu.wait_indirect_dma semaphore(%arg25 : memref<!tpu.dma_semaphore, #tpu.memory_space<semaphore_mem>>) src(%dma_wait3A_1214 : memref<100000x128xf32, #tpu.memory_space<hbm>>) dst(%arg15 : memref<64x128xf32, #tpu.memory_space<vmem>>)
      %mul3A_1215 = arith.constant 64 : i32
      %mul3A_1216 = arith.muli %select_n3A_1207, %mul3A_1215 : i32
      %add3A_1217 = arith.addi %mul3A_2, %mul3A_1216 : i32
      %dma_start3A_1218 = arith.constant 0 : i32
      %dma_start3A_1219 = tpu.memref_slice %arg4[%select_n3A_1191, %add3A_1217, %dma_start3A_1218] : memref<50x4096x128xf32, #tpu.memory_space<hbm>> -> memref<1x64x128xf32, #tpu.memory_space<hbm>>
      %dma_start3A_1220 = tpu.memref_squeeze %dma_start3A_1219 : memref<1x64x128xf32, #tpu.memory_space<hbm>> -> memref<64x128xf32, #tpu.memory_space<hbm>>
      %dma_start3A_1221 = arith.constant 0 : i32
      %dma_start3A_1222 = tpu.memref_slice %arg4[%select_n3A_1191, %add3A_1217, %dma_start3A_1221] : memref<50x4096x128xf32, #tpu.memory_space<hbm>> -> memref<1x64x128xf32, #tpu.memory_space<hbm>>
      %dma_start3A_1223 = tpu.memref_squeeze %dma_start3A_1222 : memref<1x64x128xf32, #tpu.memory_space<hbm>> -> memref<64x128xf32, #tpu.memory_space<hbm>>
      tpu.enqueue_dma source(%arg15 : memref<64x128xf32, #tpu.memory_space<vmem>>) target(%dma_start3A_1223 : memref<64x128xf32, #tpu.memory_space<hbm>>) target_semaphore(%arg35 : memref<!tpu.dma_semaphore, #tpu.memory_space<semaphore_mem>>)
    }
    %scan3A_7 = arith.constant 10 : i32
    %dma_wait3A = arith.constant 0 : i32
    %dma_wait3A_8 = arith.constant 0 : i32
    %dma_wait3A_9 = tpu.memref_slice %arg4[%dma_wait3A, %mul3A_2, %dma_wait3A_8] : memref<50x4096x128xf32, #tpu.memory_space<hbm>> -> memref<1x64x128xf32, #tpu.memory_space<hbm>>
    %dma_wait3A_10 = tpu.memref_squeeze %dma_wait3A_9 : memref<1x64x128xf32, #tpu.memory_space<hbm>> -> memref<64x128xf32, #tpu.memory_space<hbm>>
    %dma_wait3A_11 = arith.constant 0 : i32
    %dma_wait3A_12 = tpu.memref_slice %arg4[%dma_wait3A, %mul3A_2, %dma_wait3A_11] : memref<50x4096x128xf32, #tpu.memory_space<hbm>> -> memref<1x64x128xf32, #tpu.memory_space<hbm>>
    %dma_wait3A_13 = tpu.memref_squeeze %dma_wait3A_12 : memref<1x64x128xf32, #tpu.memory_space<hbm>> -> memref<64x128xf32, #tpu.memory_space<hbm>>
    tpu.wait_dma2 semaphore(%arg26 : memref<!tpu.dma_semaphore, #tpu.memory_space<semaphore_mem>>) src(%arg6 : memref<64x128xf32, #tpu.memory_space<vmem>>) dst(%dma_wait3A_13 : memref<64x128xf32, #tpu.memory_space<hbm>>)
    %dma_wait3A_14 = arith.constant 0 : i32
    %dma_wait3A_15 = arith.constant 0 : i32
    %dma_wait3A_16 = tpu.memref_slice %arg4[%dma_wait3A_14, %mul3A_2, %dma_wait3A_15] : memref<50x4096x128xf32, #tpu.memory_space<hbm>> -> memref<1x64x128xf32, #tpu.memory_space<hbm>>
    %dma_wait3A_17 = tpu.memref_squeeze %dma_wait3A_16 : memref<1x64x128xf32, #tpu.memory_space<hbm>> -> memref<64x128xf32, #tpu.memory_space<hbm>>
    %dma_wait3A_18 = arith.constant 0 : i32
    %dma_wait3A_19 = tpu.memref_slice %arg4[%dma_wait3A_14, %mul3A_2, %dma_wait3A_18] : memref<50x4096x128xf32, #tpu.memory_space<hbm>> -> memref<1x64x128xf32, #tpu.memory_space<hbm>>
    %dma_wait3A_20 = tpu.memref_squeeze %dma_wait3A_19 : memref<1x64x128xf32, #tpu.memory_space<hbm>> -> memref<64x128xf32, #tpu.memory_space<hbm>>
    tpu.wait_dma2 semaphore(%arg27 : memref<!tpu.dma_semaphore, #tpu.memory_space<semaphore_mem>>) src(%arg7 : memref<64x128xf32, #tpu.memory_space<vmem>>) dst(%dma_wait3A_20 : memref<64x128xf32, #tpu.memory_space<hbm>>)
    %dma_wait3A_21 = arith.constant 0 : i32
    %dma_wait3A_22 = arith.constant 0 : i32
    %dma_wait3A_23 = tpu.memref_slice %arg4[%dma_wait3A_21, %mul3A_2, %dma_wait3A_22] : memref<50x4096x128xf32, #tpu.memory_space<hbm>> -> memref<1x64x128xf32, #tpu.memory_space<hbm>>
    %dma_wait3A_24 = tpu.memref_squeeze %dma_wait3A_23 : memref<1x64x128xf32, #tpu.memory_space<hbm>> -> memref<64x128xf32, #tpu.memory_space<hbm>>
    %dma_wait3A_25 = arith.constant 0 : i32
    %dma_wait3A_26 = tpu.memref_slice %arg4[%dma_wait3A_21, %mul3A_2, %dma_wait3A_25] : memref<50x4096x128xf32, #tpu.memory_space<hbm>> -> memref<1x64x128xf32, #tpu.memory_space<hbm>>
    %dma_wait3A_27 = tpu.memref_squeeze %dma_wait3A_26 : memref<1x64x128xf32, #tpu.memory_space<hbm>> -> memref<64x128xf32, #tpu.memory_space<hbm>>
    tpu.wait_dma2 semaphore(%arg28 : memref<!tpu.dma_semaphore, #tpu.memory_space<semaphore_mem>>) src(%arg8 : memref<64x128xf32, #tpu.memory_space<vmem>>) dst(%dma_wait3A_27 : memref<64x128xf32, #tpu.memory_space<hbm>>)
    %dma_wait3A_28 = arith.constant 0 : i32
    %dma_wait3A_29 = arith.constant 0 : i32
    %dma_wait3A_30 = tpu.memref_slice %arg4[%dma_wait3A_28, %mul3A_2, %dma_wait3A_29] : memref<50x4096x128xf32, #tpu.memory_space<hbm>> -> memref<1x64x128xf32, #tpu.memory_space<hbm>>
    %dma_wait3A_31 = tpu.memref_squeeze %dma_wait3A_30 : memref<1x64x128xf32, #tpu.memory_space<hbm>> -> memref<64x128xf32, #tpu.memory_space<hbm>>
    %dma_wait3A_32 = arith.constant 0 : i32
    %dma_wait3A_33 = tpu.memref_slice %arg4[%dma_wait3A_28, %mul3A_2, %dma_wait3A_32] : memref<50x4096x128xf32, #tpu.memory_space<hbm>> -> memref<1x64x128xf32, #tpu.memory_space<hbm>>
    %dma_wait3A_34 = tpu.memref_squeeze %dma_wait3A_33 : memref<1x64x128xf32, #tpu.memory_space<hbm>> -> memref<64x128xf32, #tpu.memory_space<hbm>>
    tpu.wait_dma2 semaphore(%arg29 : memref<!tpu.dma_semaphore, #tpu.memory_space<semaphore_mem>>) src(%arg9 : memref<64x128xf32, #tpu.memory_space<vmem>>) dst(%dma_wait3A_34 : memref<64x128xf32, #tpu.memory_space<hbm>>)
    %dma_wait3A_35 = arith.constant 0 : i32
    %dma_wait3A_36 = arith.constant 0 : i32
    %dma_wait3A_37 = tpu.memref_slice %arg4[%dma_wait3A_35, %mul3A_2, %dma_wait3A_36] : memref<50x4096x128xf32, #tpu.memory_space<hbm>> -> memref<1x64x128xf32, #tpu.memory_space<hbm>>
    %dma_wait3A_38 = tpu.memref_squeeze %dma_wait3A_37 : memref<1x64x128xf32, #tpu.memory_space<hbm>> -> memref<64x128xf32, #tpu.memory_space<hbm>>
    %dma_wait3A_39 = arith.constant 0 : i32
    %dma_wait3A_40 = tpu.memref_slice %arg4[%dma_wait3A_35, %mul3A_2, %dma_wait3A_39] : memref<50x4096x128xf32, #tpu.memory_space<hbm>> -> memref<1x64x128xf32, #tpu.memory_space<hbm>>
    %dma_wait3A_41 = tpu.memref_squeeze %dma_wait3A_40 : memref<1x64x128xf32, #tpu.memory_space<hbm>> -> memref<64x128xf32, #tpu.memory_space<hbm>>
    tpu.wait_dma2 semaphore(%arg30 : memref<!tpu.dma_semaphore, #tpu.memory_space<semaphore_mem>>) src(%arg10 : memref<64x128xf32, #tpu.memory_space<vmem>>) dst(%dma_wait3A_41 : memref<64x128xf32, #tpu.memory_space<hbm>>)
    %dma_wait3A_42 = arith.constant 0 : i32
    %dma_wait3A_43 = arith.constant 0 : i32
    %dma_wait3A_44 = tpu.memref_slice %arg4[%dma_wait3A_42, %mul3A_2, %dma_wait3A_43] : memref<50x4096x128xf32, #tpu.memory_space<hbm>> -> memref<1x64x128xf32, #tpu.memory_space<hbm>>
    %dma_wait3A_45 = tpu.memref_squeeze %dma_wait3A_44 : memref<1x64x128xf32, #tpu.memory_space<hbm>> -> memref<64x128xf32, #tpu.memory_space<hbm>>
    %dma_wait3A_46 = arith.constant 0 : i32
    %dma_wait3A_47 = tpu.memref_slice %arg4[%dma_wait3A_42, %mul3A_2, %dma_wait3A_46] : memref<50x4096x128xf32, #tpu.memory_space<hbm>> -> memref<1x64x128xf32, #tpu.memory_space<hbm>>
    %dma_wait3A_48 = tpu.memref_squeeze %dma_wait3A_47 : memref<1x64x128xf32, #tpu.memory_space<hbm>> -> memref<64x128xf32, #tpu.memory_space<hbm>>
    tpu.wait_dma2 semaphore(%arg31 : memref<!tpu.dma_semaphore, #tpu.memory_space<semaphore_mem>>) src(%arg11 : memref<64x128xf32, #tpu.memory_space<vmem>>) dst(%dma_wait3A_48 : memref<64x128xf32, #tpu.memory_space<hbm>>)
    %dma_wait3A_49 = arith.constant 0 : i32
    %dma_wait3A_50 = arith.constant 0 : i32
    %dma_wait3A_51 = tpu.memref_slice %arg4[%dma_wait3A_49, %mul3A_2, %dma_wait3A_50] : memref<50x4096x128xf32, #tpu.memory_space<hbm>> -> memref<1x64x128xf32, #tpu.memory_space<hbm>>
    %dma_wait3A_52 = tpu.memref_squeeze %dma_wait3A_51 : memref<1x64x128xf32, #tpu.memory_space<hbm>> -> memref<64x128xf32, #tpu.memory_space<hbm>>
    %dma_wait3A_53 = arith.constant 0 : i32
    %dma_wait3A_54 = tpu.memref_slice %arg4[%dma_wait3A_49, %mul3A_2, %dma_wait3A_53] : memref<50x4096x128xf32, #tpu.memory_space<hbm>> -> memref<1x64x128xf32, #tpu.memory_space<hbm>>
    %dma_wait3A_55 = tpu.memref_squeeze %dma_wait3A_54 : memref<1x64x128xf32, #tpu.memory_space<hbm>> -> memref<64x128xf32, #tpu.memory_space<hbm>>
    tpu.wait_dma2 semaphore(%arg32 : memref<!tpu.dma_semaphore, #tpu.memory_space<semaphore_mem>>) src(%arg12 : memref<64x128xf32, #tpu.memory_space<vmem>>) dst(%dma_wait3A_55 : memref<64x128xf32, #tpu.memory_space<hbm>>)
    %dma_wait3A_56 = arith.constant 0 : i32
    %dma_wait3A_57 = arith.constant 0 : i32
    %dma_wait3A_58 = tpu.memref_slice %arg4[%dma_wait3A_56, %mul3A_2, %dma_wait3A_57] : memref<50x4096x128xf32, #tpu.memory_space<hbm>> -> memref<1x64x128xf32, #tpu.memory_space<hbm>>
    %dma_wait3A_59 = tpu.memref_squeeze %dma_wait3A_58 : memref<1x64x128xf32, #tpu.memory_space<hbm>> -> memref<64x128xf32, #tpu.memory_space<hbm>>
    %dma_wait3A_60 = arith.constant 0 : i32
    %dma_wait3A_61 = tpu.memref_slice %arg4[%dma_wait3A_56, %mul3A_2, %dma_wait3A_60] : memref<50x4096x128xf32, #tpu.memory_space<hbm>> -> memref<1x64x128xf32, #tpu.memory_space<hbm>>
    %dma_wait3A_62 = tpu.memref_squeeze %dma_wait3A_61 : memref<1x64x128xf32, #tpu.memory_space<hbm>> -> memref<64x128xf32, #tpu.memory_space<hbm>>
    tpu.wait_dma2 semaphore(%arg33 : memref<!tpu.dma_semaphore, #tpu.memory_space<semaphore_mem>>) src(%arg13 : memref<64x128xf32, #tpu.memory_space<vmem>>) dst(%dma_wait3A_62 : memref<64x128xf32, #tpu.memory_space<hbm>>)
    %dma_wait3A_63 = arith.constant 0 : i32
    %dma_wait3A_64 = arith.constant 0 : i32
    %dma_wait3A_65 = tpu.memref_slice %arg4[%dma_wait3A_63, %mul3A_2, %dma_wait3A_64] : memref<50x4096x128xf32, #tpu.memory_space<hbm>> -> memref<1x64x128xf32, #tpu.memory_space<hbm>>
    %dma_wait3A_66 = tpu.memref_squeeze %dma_wait3A_65 : memref<1x64x128xf32, #tpu.memory_space<hbm>> -> memref<64x128xf32, #tpu.memory_space<hbm>>
    %dma_wait3A_67 = arith.constant 0 : i32
    %dma_wait3A_68 = tpu.memref_slice %arg4[%dma_wait3A_63, %mul3A_2, %dma_wait3A_67] : memref<50x4096x128xf32, #tpu.memory_space<hbm>> -> memref<1x64x128xf32, #tpu.memory_space<hbm>>
    %dma_wait3A_69 = tpu.memref_squeeze %dma_wait3A_68 : memref<1x64x128xf32, #tpu.memory_space<hbm>> -> memref<64x128xf32, #tpu.memory_space<hbm>>
    tpu.wait_dma2 semaphore(%arg34 : memref<!tpu.dma_semaphore, #tpu.memory_space<semaphore_mem>>) src(%arg14 : memref<64x128xf32, #tpu.memory_space<vmem>>) dst(%dma_wait3A_69 : memref<64x128xf32, #tpu.memory_space<hbm>>)
    %dma_wait3A_70 = arith.constant 0 : i32
    %dma_wait3A_71 = arith.constant 0 : i32
    %dma_wait3A_72 = tpu.memref_slice %arg4[%dma_wait3A_70, %mul3A_2, %dma_wait3A_71] : memref<50x4096x128xf32, #tpu.memory_space<hbm>> -> memref<1x64x128xf32, #tpu.memory_space<hbm>>
    %dma_wait3A_73 = tpu.memref_squeeze %dma_wait3A_72 : memref<1x64x128xf32, #tpu.memory_space<hbm>> -> memref<64x128xf32, #tpu.memory_space<hbm>>
    %dma_wait3A_74 = arith.constant 0 : i32
    %dma_wait3A_75 = tpu.memref_slice %arg4[%dma_wait3A_70, %mul3A_2, %dma_wait3A_74] : memref<50x4096x128xf32, #tpu.memory_space<hbm>> -> memref<1x64x128xf32, #tpu.memory_space<hbm>>
    %dma_wait3A_76 = tpu.memref_squeeze %dma_wait3A_75 : memref<1x64x128xf32, #tpu.memory_space<hbm>> -> memref<64x128xf32, #tpu.memory_space<hbm>>
    tpu.wait_dma2 semaphore(%arg35 : memref<!tpu.dma_semaphore, #tpu.memory_space<semaphore_mem>>) src(%arg15 : memref<64x128xf32, #tpu.memory_space<vmem>>) dst(%dma_wait3A_76 : memref<64x128xf32, #tpu.memory_space<hbm>>)
    return
  }
}

</mosaic_0001>

<sc_bundles>
// kernel: kernel.3.cloned.1.call-start
scs
__scs_entry_jumppad:
0x0: {  	(pc) =	sbr.rel $0x88, $3  }
0x1: {  	(tag) =	ssettag $0x0;
	lr =	simm.s32 $0x1  }
0x2: {  	[smem:$0x3F9F] =	sst lr;
	_ =	strace $0xD0000000  }
0x3: {  	_ = 	snop  }
0x4: {  	_ = 	snop  }
0x5: {  	_ = 	snop  }
0x6: {  	_ = 	snop  }
0x7: {  	_ = 	snop  }
__scs_overlays_trampoline_lowered:
0x8: {  	[smem:$0x3FAE] =	sst s0  }
0x9: {  	[smem:$0x3FAF] =	sst s1  }
0xa: {  	[smem:$0x3FB0] =	sst s2  }
0xb: {  	[smem:$0x3FB1] =	sst s3  }
0xc: {  	[smem:$0x3FB2] =	sst s4  }
0xd: {  	[smem:$0x3FB3] =	sst s5  }
0xe: {  	[smem:$0x3FB4] =	sst s6  }
0xf: {  	[smem:$0x3FB5] =	sst s7  }
0x10: {  	[smem:$0x3FB6] =	sst s8  }
0x11: {  	[smem:$0x3FB7] =	sst s9;
	s0 =	simm.s32 @!p0 $0x0  }
0x12: {  	s1 =	sld [smem:$0x3F9D];
	s0 =	simm.s32 @p0 $0x1  }
0x13: {  	[smem:$0x3FB8] =	sst s0;
	s0 =	simm.s32 @!p1 $0x0  }
0x14: {  	s2 =	sld [smem:$0x3F9C];
	s0 =	simm.s32 @p1 $0x1  }
0x15: {  	[smem:$0x3FB9] =	sst s0;
	s0 =	simm.s32 @!p2 $0x0  }
0x16: {  	s3 =	sld [smem:$0x3FDB];
	s0 =	simm.s32 @p2 $0x1  }
0x17: {  	s4 =	simm.s32 $0x1BF5;
	[smem:$0x3FBB] =	sst s0  }
0x18: {  	s0 =	sld [smem:$0x3F9E];
	_ =	swait.ge [sflag:s4], $0x0  }
0x19: {  	s7 =	sld [smem:$0x3F9F]  }
0x1a: {  	s8 =	sadd.s32 $0xFFFFE003, lr  }
0x1b: {  	s9 =	sadd.s32 $0xFFFFFEF7, lr;
	s5 =	simm.s32 $0xFFFFFFFF;
	p2 =	slt.u32 s8, $0xFFFFF086  }
0x1c: {  	p1 =	slt.u32 s9, $0xF7A;
	s5 =	simm.s32 @!p2 $0x0  }
0x1d: {  	s5 =	simm.s32 @p1 $0x1;
	p0 =	seq.s32 s7, s2  }
0x1e: {  	s7 =	smul.u32 @!p0 $0xF7A, s2;
	p2 =	seq.s32 @!p0 s5, $0x0  }
0x1f: {  	s9 =	smul.u32 $0xF7A, s1;
	s8 =	simm.s32 @!p0 $0x1BF5;
	p2 =	por !p2, p0  }
0x20: {  	[sflag:s8] =	ssyncset.s32 @!p0 $0xFFFFF086;
	s6 =	sadd.s32 @!p0 s3, s7;
	s7 =	simm.s32 @!p0 $0x108  }
0x21: {  	s3 =	sadd.s32 s3, s9;
	s6 =	sadd.s32 @!p0 $0x88, s6;
	s7 =	simm.s32 @p2 $0x1082  }
0x22: {  	[simem:s7], [sflag:s8] =	dma.local @!p0 [hbm:s6], $0xF7A  }
0x23: {  	s9 =	sor.u32 $0xD0000000, s2;
	s6 =	simm.s32 $0x108;
	_ =	swait.ge @!p0 [sflag:s8], $0x0  }
0x24: {  	s3 =	sadd.s32 $0x88, s3;
	s6 =	simm.s32 @!p1 $0x1082;
	[sflag:s4] =	ssyncset.s32 $0xFFFFF086  }
0x25: {  	[simem:s6], [sflag:s4] =	dma.local [hbm:s3], $0xF7A  }
0x26: {  	[smem:$0x3F9F] =	sst s1;
	(tag) =	ssettag s2;
	_ =	strace s9  }
0x27: {  	s1 =	sld [smem:$0x3FAF]  }
0x28: {  	s2 =	sld [smem:$0x3FB0]  }
0x29: {  	s4 =	sld [smem:$0x3FB2]  }
0x2a: {  	p0 =	seq.s32 s5, $0x0;
	s5 =	sld [smem:$0x3FB3]  }
0x2b: {  	s6 =	sld [smem:$0x3FB4]  }
0x2c: {  	s7 =	sld [smem:$0x3FB5]  }
0x2d: {  	s3 =	simm.s32 $0x108;
	s8 =	sld [smem:$0x3FB6]  }
0x2e: {  	s3 =	simm.s32 @!p0 $0x1082;
	s9 =	sld [smem:$0x3FB7]  }
0x2f: {  	lr =	sadd.s32 s0, s3;
	s0 =	sld [smem:$0x3FAE]  }
0x30: {  	s3 =	sld [smem:$0x3FB1]  }
0x31: {  	[smem:$0x3FBA] =	sst s10  }
0x32: {  	s10 =	sld [smem:$0x3FB8];
	_ =	sdelay $0x3  }
0x33: {  	p0 =	seq.s32 s10, $0x1;
	s10 =	sld [smem:$0x3FBA];
	_ =	sdelay $0x3  }
0x34: {  	[smem:$0x3FBA] =	sst s10  }
0x35: {  	s10 =	sld [smem:$0x3FB9];
	_ =	sdelay $0x3  }
0x36: {  	p1 =	seq.s32 s10, $0x1;
	s10 =	sld [smem:$0x3FBA];
	_ =	sdelay $0x3  }
0x37: {  	[smem:$0x3FBA] =	sst s10  }
0x38: {  	s10 =	sld [smem:$0x3FBB]  }
0x39: {  	_ = 	snop;
	(pc) =	sbr.ind lr, $3  }
0x3a: {  	_ = 	snop  }
0x3b: {  	_ = 	snop  }
0x3c: {  	p2 =	seq.s32 s10, $0x1;
	s10 =	sld [smem:$0x3FBA]  }
0x3d: {  	_ =	shalt  }
0x3e: {  	_ =	shalt  }
0x3f: {  	_ =	shalt  }
0x40: {  	_ =	shalt  }
0x41: {  	_ =	shalt  }
0x42: {  	_ =	shalt  }
0x43: {  	_ =	shalt  }
0x44: {  	_ =	shalt  }
0x45: {  	_ =	shalt  }
0x46: {  	_ =	shalt  }
0x47: {  	_ =	shalt  }
0x48: {  	_ =	shalt  }
0x49: {  	_ =	shalt  }
0x4a: {  	_ =	shalt  }
0x4b: {  	_ =	shalt  }
0x4c: {  	_ =	shalt  }
0x4d: {  	_ =	shalt  }
0x4e: {  	_ =	shalt  }
0x4f: {  	_ =	shalt  }
0x50: {  	_ =	shalt  }
0x51: {  	_ =	shalt  }
0x52: {  	_ =	shalt  }
0x53: {  	_ =	shalt  }
0x54: {  	_ =	shalt  }
0x55: {  	_ =	shalt  }
0x56: {  	_ =	shalt  }
0x57: {  	_ =	shalt  }
0x58: {  	_ =	shalt  }
0x59: {  	_ =	shalt  }
0x5a: {  	_ =	shalt  }
0x5b: {  	_ =	shalt  }
0x5c: {  	_ =	shalt  }
0x5d: {  	_ =	shalt  }
0x5e: {  	_ =	shalt  }
0x5f: {  	_ =	shalt  }
0x60: {  	_ =	shalt  }
0x61: {  	_ =	shalt  }
0x62: {  	_ =	shalt  }
0x63: {  	_ =	shalt  }
0x64: {  	_ =	shalt  }
0x65: {  	_ =	shalt  }
0x66: {  	_ =	shalt  }
0x67: {  	_ =	shalt  }
0x68: {  	_ =	shalt  }
0x69: {  	_ =	shalt  }
0x6a: {  	_ =	shalt  }
0x6b: {  	_ =	shalt  }
0x6c: {  	_ =	shalt  }
0x6d: {  	_ =	shalt  }
0x6e: {  	_ =	shalt  }
0x6f: {  	_ =	shalt  }
0x70: {  	_ =	shalt  }
0x71: {  	_ =	shalt  }
0x72: {  	_ =	shalt  }
0x73: {  	_ =	shalt  }
0x74: {  	_ =	shalt  }
0x75: {  	_ =	shalt  }
0x76: {  	_ =	shalt  }
0x77: {  	_ =	shalt  }
0x78: {  	_ =	shalt  }
0x79: {  	_ =	shalt  }
0x7a: {  	_ =	shalt  }
0x7b: {  	_ =	shalt  }
0x7c: {  	_ =	shalt  }
0x7d: {  	_ =	shalt  }
0x7e: {  	_ =	shalt  }
0x7f: {  	_ =	shalt  }
0x80: {  	_ =	shalt  }
0x81: {  	_ =	shalt  }
0x82: {  	_ =	shalt  }
0x83: {  	_ =	shalt  }
0x84: {  	_ =	shalt  }
0x85: {  	_ =	shalt  }
0x86: {  	_ =	shalt  }
0x87: {  	_ =	shalt  }
.Lfunc_end0:
.L_simem_size_0:
called_computation_lowered:
.L_overlay_start_0:
0x88: {  	s2 =	sld [smem:$0x3FD9]  }
0x89: {  	s3 =	sld [smem:$0x3FFE];
	_ =	sdelay $0x1  }
0x8a: {  	s1 =	srdreg.scid  }
0x8b: {  	s0 =	sand.u32 $0x1, s1  }
0x8c: {  	s18 =	sshll.u32 s0, $0xA;
	s2 =	sadd.s32 s3, s2  }
0x8d: {  	s2 =	sadd.s32 s2, s18  }
0x8e: {  	[smem:$0x3FC6] =	sst s2  }
0x8f: {  	_ = 	snop  }
0x90: {  	s2 =	sld [smem:$0x3FC9]  }
0x91: {  	s19 =	sld [smem:$0x3FC8]  }
0x92: {  	s4 =	sld [smem:$0x3FD0];
	(tm) =	ssettm $0x1  }
0x93: {  	s5 =	sld [smem:$0x3FFB];
	_ =	sdelay $0x3  }
0x94: {  	_ =	strace s5  }
0x95: {  	s5 =	sld [smem:$0x3FFC];
	_ =	sdelay $0x3  }
0x96: {  	_ =	strace s5  }
0x97: {  	s5 =	sld [smem:$0x3FFD];
	_ =	sdelay $0x3  }
0x98: {  	_ =	strace s5  }
0x99: {  	_ =	strace $0x8FFFFFFF  }
0x9a: {  	s20 =	sld [smem:$0x3FDB];
	_ =	sdelay $0x1  }
0x9b: {  	s6 =	simm.s32 $_scs_section_size  }
0x9c: {  	s7 =	simm.s32 $_size__tile_overlayer_lowered;
	s8 =	simm.s32 $_tile_overlayer_lowered  }
0x9d: {  	s23 =	simm.s32 $0x1BFF;
	s22 =	sshll.u32 s8, $0x1;
	s5 =	sadd.s32 s6, s20  }
0x9e: {  	s9 =	simm.s32 $0x0;
	s21 =	sshll.u32 s7, $0x1;
	s7 =	sadd.s32 s22, s5  }
0x9f: {  	[timem:s9], [sflag:s23] =	dma.local [hbm:s7], s21  }
0xa0: {  	_ =	swait.ge [sflag:s23], s21  }
0xa1: {  	s6 =	ssub.s32 $0x0, s21;
	[sflag:s23] =	ssyncset.done $0x0  }
0xa2: {  	[sflag:s23] =	ssyncadd.s32 s6;
	_ =	sdelay $0x1  }
0xa3: {  	s24 =	simm.s32 $0x1B8B  }
0xa4: {  	_ =	swait.ge [sflag:s24], $0x1  }
0xa5: {  	[sflag:s24] =	ssyncset.done $0x0  }
0xa6: {  	s25 =	simm.s32 $0x1B8E;
	[sflag:s24] =	ssyncadd.s32 $0xFFFFFFFF  }
0xa7: {  	s26 =	simm.s32 $execute0_lowered;
	[smem:$0x3FD2] =	sst s25  }
0xa8: {  	s6 =	sshll.u32 s26, $0x1;
	_ =	strace $0x80000046;
	[dreg:$0x1] =	wrdreg $0xFFFFFFFF  }
0xa9: {  	s28 =	simm.s32 $_size_execute0_lowered;
	s5 =	sadd.s32 s5, s6;
	[dreg:$0x0] =	wrdreg $0x0  }
0xaa: {  	s6 =	sshll.u32 s28, $0x1;
	[dreg:$0x2] =	wrdreg s5  }
0xab: {  	[dreg:$0x3] =	wrdreg s6  }
0xac: {  	[dreg:$0x4] =	wrdreg $0xC0  }
0xad: {  	_ =	task [dreg:s9], $0x5FFFF  }
0xae: {  	[dreg:$0x1] =	wrdreg $0xFFFFFFFF  }
0xaf: {  	[dreg:$0x0] =	wrdreg $0x60  }
0xb0: {  	[dreg:$0x2] =	wrdreg s19  }
0xb1: {  	[dreg:$0x3] =	wrdreg s2  }
0xb2: {  	[dreg:$0x4] =	wrdreg s4  }
0xb3: {  	[dreg:$0x5] =	wrdreg $0x9  }
0xb4: {  	_ =	task.clear_ibuf [dreg:s9], $0x6FFFF;
	_ =	strace $0x90000046  }
0xb5: {  	s29 =	simm.s32 $0x9;
	_ =	strace $0x80000048  }
0xb6: {  	_ =	swait.ge [sflag:s29], $0x1  }
0xb7: {  	[sflag:s29] =	ssyncadd.s32 $0xFFFFFFFF  }
0xb8: {  	_ =	strace $0x90000048  }
0xb9: {  	_ =	sfence  }
0xba: {  	s30 =	sld [smem:$0x0];
	_ =	sdelay $0x2  }
0xbb: {  	s31 =	sshll.u32 s1, $0xD;
	s1 =	sshrl.u32 s1, $0x2  }
0xbc: {  	s3 =	sand.u32 $0x4000, s31;
	s1 =	sadd.s32 s1, s30  }
0xbd: {  	s0 =	sor.u32 s3, s0;
	s1 =	sshll.u32 s1, $0x11  }
0xbe: {  	s0 =	sor.u32 s1, s0  }
0xbf: {  	s0 =	sadd.s32 $0x8F2B, s0  }
0xc0: {  	[sflag:s0] =	ssyncadd.remote.s32 $0x1  }
0xc1: {  	_ =	sfence.sel $0xFFFF  }
0xc2: {  	[dreg:$0x0] =	wrdreg $0xFFFFFFFF;
	(pc) =	sbr.abs _section_cstart, $3  }
0xc3: {  	[dreg:$0x1] =	wrdreg $0xFFFFFFFF  }
0xc4: {  	_ =	task.clear_ibuf [dreg:s9], $0x2FFFF;
	_ =	strace $0x9FFFFFFF  }
0xc5: {  	(tm) =	ssettm $0x7FFFFFFF  }
tec
execute0_lowered:
.L_overlay_start_1:
0x0: {  	(tag) =	ssettag $0x1  }
0x1: {  	s1 =	rddreg [dreg:$0x0]  }
0x2: {  	s0 =	rddreg [dreg:$0x1]  }
0x3: {  	s2 =	rddreg [dreg:$0x2];
	s4 =	srdreg.scid;
	s3 =	simm.s32 $0x0  }
0x4: {  	s9 =	stileid.u32;
	s15 =	simm.s32 $0x40;
	s17 =	simm.s32 $0x3C00  }
0x5: {  	s19 =	simm.s32 $0x5C00;
	s21 =	simm.s32 $0x7C00;
	s28 =	simm.s32 $0xFC00  }
0x6: {  	s29 =	simm.s32 $0x11C00;
	s12 =	simm.s32 $0x2;
	s13 =	simm.s32 $0x3  }
0x7: {  	s14 =	simm.s32 $0x7;
	s18 =	simm.s32 $0x8;
	s20 =	simm.s32 $0x9  }
0x8: {  	s22 =	simm.s32 $0xA;
	s11 =	simm.s32 $0x13C00;
	s4 =	sand.u32 $0x1, s4  }
0x9: {  	[smem:$0x7FF] =	sst s3;
	s7 =	sshll.u32 s9, $0x8;
	s24 =	sshll.u32 s9, $0xF  }
0xa: {  	s5 =	ssub.s32 $0x2, s4;
	s8 =	sshll.u32 s4, $0x7;
	_ =	strace $0x80000047  }
0xb: {  	s4 =	sshll.u32 s4, $0xE;
	s6 =	sshrl.u32 s5, $0x1;
	s23 =	sor.u32 s8, s7  }
0xc: {  	s26 =	sor.u32 s4, s24;
	s24 =	simm.s32 $0x1C00;
	s8 =	simm.s32 $0x5  }
0xd: {  	s6 =	ssub.s32 s5, s6;
	s7 =	sshll.u32 s23, $0x4;
	s25 =	sadd.s32 s0, s23  }
0xe: {  	s31 =	sor.u32 $0x2000, s26;
	s0 =	sshrl.u32 s26, $0x3;
	s23 =	simm.s32 $0x9C00  }
0xf: {  	s26 =	simm.s32 $0xDC00;
	s5 =	sadd.s32 s2, s7;
	[dreg:$0x4] =	wrdreg s25  }
.Ltmp0:
0x10: {  	s30 =	sadd.s32 $0x6000, s25;
	s6 =	smax.u32 s6, $0x1;
	(pc) =	sbr.rel .LBB2_1-.Ltmp0, $4  }
0x11: {  	s4 =	sshrl.u32 s31, $0x3;
	s0 =	sadd.s32 s0, s2;
	[dreg:$0x5] =	wrdreg s30  }
0x12: {  	s25 =	simm.s32 $0xBC00;
	s7 =	sadd.s32 $0x400, s5;
	[dreg:$0x6] =	wrdreg s6  }
0x13: {  	s4 =	sadd.s32 s4, s2;
	[dreg:$0x8] =	wrdreg s0;
	s6 =	simm.s32 $0x4  }
0x14: {  	s2 =	simm.s32 $0x0;
	[dreg:$0x7] =	wrdreg s4;
	s4 =	simm.s32 $0x6  }
.LBB2_6:
0x15: {  	s0 =	simm.s32 $0xB  }
0x16: {  	_ =	swait.ge [sflag:s0], $0x2000  }
0x17: {  	[sflag:s0] =	ssyncset.done $0x0  }
0x18: {  	s16 =	simm.s32 $0xC;
	[sflag:s0] =	ssyncadd.s32 $0xFFFFE000  }
0x19: {  	_ =	swait.ge [sflag:s16], $0x2000  }
0x1a: {  	[sflag:s16] =	ssyncset.done $0x0  }
0x1b: {  	s30 =	simm.s32 $0xD;
	[sflag:s16] =	ssyncadd.s32 $0xFFFFE000  }
0x1c: {  	_ =	swait.ge [sflag:s30], $0x2000  }
0x1d: {  	[sflag:s30] =	ssyncset.done $0x0  }
0x1e: {  	s31 =	simm.s32 $0xE;
	[sflag:s30] =	ssyncadd.s32 $0xFFFFE000  }
0x1f: {  	_ =	swait.ge [sflag:s31], $0x2000  }
0x20: {  	[sflag:s31] =	ssyncset.done $0x0  }
0x21: {  	s2 =	simm.s32 $0xF;
	[sflag:s31] =	ssyncadd.s32 $0xFFFFE000  }
0x22: {  	_ =	swait.ge [sflag:s2], $0x2000  }
0x23: {  	[sflag:s2] =	ssyncset.done $0x0  }
0x24: {  	s9 =	simm.s32 $0x10;
	[sflag:s2] =	ssyncadd.s32 $0xFFFFE000  }
0x25: {  	_ =	swait.ge [sflag:s9], $0x2000  }
0x26: {  	[sflag:s9] =	ssyncset.done $0x0  }
0x27: {  	s10 =	simm.s32 $0x11;
	[sflag:s9] =	ssyncadd.s32 $0xFFFFE000  }
0x28: {  	_ =	swait.ge [sflag:s10], $0x2000  }
0x29: {  	[sflag:s10] =	ssyncset.done $0x0  }
0x2a: {  	s16 =	simm.s32 $0x12;
	[sflag:s10] =	ssyncadd.s32 $0xFFFFE000  }
0x2b: {  	_ =	swait.ge [sflag:s16], $0x2000  }
0x2c: {  	[sflag:s16] =	ssyncset.done $0x0  }
0x2d: {  	s30 =	simm.s32 $0x13;
	[sflag:s16] =	ssyncadd.s32 $0xFFFFE000  }
0x2e: {  	_ =	swait.ge [sflag:s30], $0x2000  }
0x2f: {  	[sflag:s30] =	ssyncset.done $0x0  }
0x30: {  	s31 =	simm.s32 $0x14;
	[sflag:s30] =	ssyncadd.s32 $0xFFFFE000  }
0x31: {  	_ =	swait.ge [sflag:s31], $0x2000  }
0x32: {  	s2 =	rddreg [dreg:$0x9]  }
0x33: {  	s9 =	rddreg [dreg:$0x6];
	s2 =	sadd.s32 $0x1, s2  }
0x34: {  	p0 =	sne.s32 s2, s9  }
.Ltmp1:
0x35: {  	_ = 	snop;
	(pc) =	sbr.rel @!p0 .LBB2_7-.Ltmp1, $3  }
0x36: {  	_ =	sdelay $0x1  }
0x37: {  	[sflag:s31] =	ssyncset.done $0x0  }
0x38: {  	[sflag:s31] =	ssyncadd.s32 $0xFFFFE000  }
.LBB2_1:
0x39: {  	[dreg:$0x9] =	wrdreg s2  }
0x3a: {  	s9 =	rddreg [dreg:$0x4]  }
0x3b: {  	s10 =	simm.s32 $0x400;
	s16 =	simm.s32 $0x8000;
	s30 =	simm.s32 $0x15  }
0x3c: {  	[tilespmem:s3], [sflag:$0x15] =	stream.strided.gather [hbm4b:s9+s10], $0x1800, s16, s10, $0x38;
	[tilespmem:$0x15C00] =	vst v63  }
.Ltmp2:
0x3d: {  	s10 =	rddreg [dreg:$0x5];
	s16 =	simm.s32 $0x1800;
	(pc) =	sbr.rel .LBB2_2-.Ltmp2, $4  }
0x3e: {  	[tilespmem:s16], [sflag:$0x15] =	stream.linear.gather [hbm4b:s10+s3], $0x100, $0x38;
	[tilespmem:$0x15C00] =	vst v63  }
0x3f: {  	_ =	swait.ge [sflag:s30], $0x1900  }
0x40: {  	[sflag:s30] =	ssyncset.done $0x0  }
0x41: {  	s31 =	simm.s32 $0x0;
	s16 =	simm.s32 $0x800;
	[sflag:s30] =	ssyncadd.s32 $0xFFFFE700  }
.LBB2_4:
0x42: {  	s0 =	simm.s32 $0xB  }
0x43: {  	_ =	swait.ge [sflag:s0], $0x2000  }
0x44: {  	s9 =	sshra.s32 s16, $0x2;
	[sflag:s0] =	ssyncset.done $0x0  }
0x45: {  	s10 =	sadd.s32 $0xFFFFFE00, s9;
	[sflag:s0] =	ssyncadd.s32 $0xFFFFE000  }
0x46: {  	[tilespmem:s24], [sflag:$0x1] =	stream.indirect.gather [hbm4b:s1+s15], $0x80, s10, s15, $0xb8;
	[tilespmem:$0x15C00] =	vst v63  }
0x47: {  	s24 =	simm.s32 $0xC  }
0x48: {  	_ =	swait.ge [sflag:s24], $0x2000  }
0x49: {  	[sflag:s24] =	ssyncset.done $0x0  }
0x4a: {  	s2 =	sadd.s32 $0xFFFFFE40, s9;
	[sflag:s24] =	ssyncadd.s32 $0xFFFFE000;
	s24 =	simm.s32 $0xD  }
0x4b: {  	[tilespmem:s17], [sflag:$0x2] =	stream.indirect.gather [hbm4b:s1+s15], $0x80, s2, s15, $0xb8;
	[tilespmem:$0x15C00] =	vst v63  }
0x4c: {  	_ =	swait.ge [sflag:s24], $0x2000  }
0x4d: {  	[sflag:s24] =	ssyncset.done $0x0  }
0x4e: {  	s2 =	sadd.s32 $0xFFFFFE80, s9;
	s17 =	simm.s32 $0xE;
	[sflag:s24] =	ssyncadd.s32 $0xFFFFE000  }
0x4f: {  	[tilespmem:s19], [sflag:$0x3] =	stream.indirect.gather [hbm4b:s1+s15], $0x80, s2, s15, $0xb8;
	[tilespmem:$0x15C00] =	vst v63  }
0x50: {  	_ =	swait.ge [sflag:s17], $0x2000  }
0x51: {  	[sflag:s17] =	ssyncset.done $0x0  }
0x52: {  	s24 =	simm.s32 $0xF;
	s19 =	sadd.s32 $0xFFFFFEC0, s9;
	[sflag:s17] =	ssyncadd.s32 $0xFFFFE000  }
0x53: {  	[tilespmem:s21], [sflag:$0x4] =	stream.indirect.gather [hbm4b:s1+s15], $0x80, s19, s15, $0xb8;
	[tilespmem:$0x15C00] =	vst v63  }
0x54: {  	_ =	swait.ge [sflag:s24], $0x2000  }
0x55: {  	[sflag:s24] =	ssyncset.done $0x0  }
0x56: {  	s10 =	simm.s32 $0x10;
	s2 =	sadd.s32 $0xFFFFFF00, s9;
	[sflag:s24] =	ssyncadd.s32 $0xFFFFE000  }
0x57: {  	[tilespmem:s23], [sflag:$0x5] =	stream.indirect.gather [hbm4b:s1+s15], $0x80, s2, s15, $0xb8;
	[tilespmem:$0x15C00] =	vst v63  }
0x58: {  	_ =	swait.ge [sflag:s10], $0x2000  }
0x59: {  	[sflag:s10] =	ssyncset.done $0x0  }
0x5a: {  	s17 =	sadd.s32 $0xFFFFFF40, s9;
	s19 =	simm.s32 $0x11;
	[sflag:s10] =	ssyncadd.s32 $0xFFFFE000  }
0x5b: {  	[tilespmem:s25], [sflag:$0x6] =	stream.indirect.gather [hbm4b:s1+s15], $0x80, s17, s15, $0xb8;
	[tilespmem:$0x15C00] =	vst v63  }
0x5c: {  	_ =	swait.ge [sflag:s19], $0x2000  }
0x5d: {  	[sflag:s19] =	ssyncset.done $0x0  }
0x5e: {  	s21 =	sadd.s32 $0xFFFFFF80, s9;
	s23 =	simm.s32 $0x12;
	[sflag:s19] =	ssyncadd.s32 $0xFFFFE000  }
0x5f: {  	[tilespmem:s26], [sflag:$0x7] =	stream.indirect.gather [hbm4b:s1+s15], $0x80, s21, s15, $0xb8;
	[tilespmem:$0x15C00] =	vst v63  }
0x60: {  	s30 =	simm.s32 $0xDC00;
	_ =	swait.ge [sflag:s23], $0x2000  }
0x61: {  	s0 =	simm.s32 $0xFC00;
	s24 =	sadd.s32 $0xFFFFFFC0, s9;
	[sflag:s23] =	ssyncset.done $0x0  }
0x62: {  	s2 =	simm.s32 $0x11C00;
	s25 =	simm.s32 $0x13;
	[sflag:s23] =	ssyncadd.s32 $0xFFFFE000  }
0x63: {  	[tilespmem:s28], [sflag:$0x8] =	stream.indirect.gather [hbm4b:s1+s15], $0x80, s24, s15, $0xb8;
	[tilespmem:$0x15C00] =	vst v63  }
0x64: {  	s10 =	sadd.s32 $0x10000, s31;
	s17 =	simm.s32 $0x1C00;
	_ =	swait.ge [sflag:s25], $0x2000  }
0x65: {  	s19 =	simm.s32 $0x3C00;
	s26 =	simm.s32 $0x14;
	[sflag:s25] =	ssyncset.done $0x0  }
0x66: {  	s21 =	simm.s32 $0x5C00;
	s23 =	simm.s32 $0x7C00;
	[sflag:s25] =	ssyncadd.s32 $0xFFFFE000  }
0x67: {  	[tilespmem:s29], [sflag:$0x9] =	stream.indirect.gather [hbm4b:s1+s15], $0x80, s9, s15, $0xb8;
	[tilespmem:$0x15C00] =	vst v63  }
0x68: {  	s28 =	simm.s32 $0xBC00;
	s24 =	sadd.s32 $0x40000, s31;
	_ =	swait.ge [sflag:s26], $0x2000  }
0x69: {  	s25 =	simm.s32 $0x9C00;
	s9 =	sadd.s32 $0x20000, s31;
	[sflag:s26] =	ssyncset.done $0x0  }
0x6a: {  	s29 =	smov.u32 s16;
	[sflag:s26] =	ssyncadd.s32 $0xFFFFE000;
	s26 =	sadd.s32 $0x30000, s31  }
.LBB2_5:
0x6b: {  	s29 =	sshra.s32 s29, $0x2  }
0x6c: {  	s29 =	sadd.s32 $0x40, s29  }
0x6d: {  	[tilespmem:s11], [sflag:$0xA] =	stream.indirect.gather [hbm4b:s1+s15], $0x80, s29, s15, $0xb8;
	[tilespmem:$0x15C00] =	vst v63  }
0x6e: {  	s29 =	simm.s32 $0x1  }
0x6f: {  	_ =	swait.ge [sflag:s29], $0x2000  }
0x70: {  	[sflag:s29] =	ssyncset.done $0x0  }
0x71: {  	[sflag:s29] =	ssyncadd.s32 $0xFFFFE000;
	s29 =	rddreg [dreg:$0x8]  }
0x72: {  	s29 =	sadd.s32 s31, s29  }
0x73: {  	[hbm4b:s29+s3] =	stream.linear.scatter [tilespmem:s17], [sflag:$0xB], $0x2000, $0x38;
	[tilespmem:$0x15C00] =	vst v63  }
0x74: {  	_ =	swait.ge [sflag:s12], $0x2000  }
0x75: {  	[sflag:s12] =	ssyncset.done $0x0;
	s29 =	rddreg [dreg:$0x7]  }
0x76: {  	[sflag:s12] =	ssyncadd.s32 $0xFFFFE000;
	s29 =	sadd.s32 s31, s29  }
0x77: {  	[hbm4b:s29+s3] =	stream.linear.scatter [tilespmem:s19], [sflag:$0xC], $0x2000, $0x38;
	[tilespmem:$0x15C00] =	vst v63  }
0x78: {  	_ =	swait.ge [sflag:s13], $0x2000  }
0x79: {  	[sflag:s13] =	ssyncset.done $0x0  }
0x7a: {  	s29 =	sadd.s32 s10, s5;
	[sflag:s13] =	ssyncadd.s32 $0xFFFFE000  }
0x7b: {  	[hbm4b:s29+s3] =	stream.linear.scatter [tilespmem:s21], [sflag:$0xD], $0x2000, $0x38;
	[tilespmem:$0x15C00] =	vst v63  }
0x7c: {  	_ =	swait.ge [sflag:s6], $0x2000  }
0x7d: {  	[sflag:s6] =	ssyncset.done $0x0  }
0x7e: {  	s17 =	sadd.s32 s10, s7;
	[sflag:s6] =	ssyncadd.s32 $0xFFFFE000  }
0x7f: {  	[hbm4b:s17+s3] =	stream.linear.scatter [tilespmem:s23], [sflag:$0xE], $0x2000, $0x38;
	[tilespmem:$0x15C00] =	vst v63  }
0x80: {  	_ =	swait.ge [sflag:s8], $0x2000  }
0x81: {  	[sflag:s8] =	ssyncset.done $0x0  }
0x82: {  	s19 =	sadd.s32 s9, s5;
	[sflag:s8] =	ssyncadd.s32 $0xFFFFE000  }
0x83: {  	[hbm4b:s19+s3] =	stream.linear.scatter [tilespmem:s25], [sflag:$0xF], $0x2000, $0x38;
	[tilespmem:$0x15C00] =	vst v63  }
0x84: {  	_ =	swait.ge [sflag:s4], $0x2000  }
0x85: {  	[sflag:s4] =	ssyncset.done $0x0  }
0x86: {  	s21 =	sadd.s32 s9, s7;
	[sflag:s4] =	ssyncadd.s32 $0xFFFFE000  }
0x87: {  	[hbm4b:s21+s3] =	stream.linear.scatter [tilespmem:s28], [sflag:$0x10], $0x2000, $0x38;
	[tilespmem:$0x15C00] =	vst v63  }
0x88: {  	_ =	swait.ge [sflag:s14], $0x2000  }
0x89: {  	[sflag:s14] =	ssyncset.done $0x0  }
0x8a: {  	s23 =	sadd.s32 s26, s5;
	[sflag:s14] =	ssyncadd.s32 $0xFFFFE000  }
0x8b: {  	[hbm4b:s23+s3] =	stream.linear.scatter [tilespmem:s30], [sflag:$0x11], $0x2000, $0x38;
	[tilespmem:$0x15C00] =	vst v63  }
0x8c: {  	_ =	swait.ge [sflag:s18], $0x2000  }
0x8d: {  	[sflag:s18] =	ssyncset.done $0x0  }
0x8e: {  	s16 =	sadd.s32 $0xA00, s16;
	s25 =	sadd.s32 s26, s7;
	[sflag:s18] =	ssyncadd.s32 $0xFFFFE000  }
0x8f: {  	[hbm4b:s25+s3] =	stream.linear.scatter [tilespmem:s0], [sflag:$0x12], $0x2000, $0x38;
	[tilespmem:$0x15C00] =	vst v63  }
0x90: {  	p0 =	sne.s32 s16, $0x6C00;
	_ =	swait.ge [sflag:s20], $0x2000  }
0x91: {  	s31 =	sadd.s32 $0x50000, s31;
	s29 =	simm.s32 $0x11C00;
	[sflag:s20] =	ssyncset.done $0x0  }
0x92: {  	s17 =	simm.s32 $0x3C00;
	s26 =	sadd.s32 s24, s5;
	[sflag:s20] =	ssyncadd.s32 $0xFFFFE000  }
0x93: {  	[hbm4b:s26+s3] =	stream.linear.scatter [tilespmem:s2], [sflag:$0x13], $0x2000, $0x38;
	[tilespmem:$0x15C00] =	vst v63  }
.Ltmp3:
0x94: {  	s19 =	simm.s32 $0x5C00;
	s21 =	simm.s32 $0x7C00;
	(pc) =	sbr.rel @!p0 .LBB2_6-.Ltmp3, $4  }
0x95: {  	s28 =	simm.s32 $0xFC00;
	s30 =	sadd.s32 s24, s7;
	_ =	swait.ge [sflag:s22], $0x2000  }
0x96: {  	s24 =	simm.s32 $0x1C00;
	s23 =	simm.s32 $0x9C00;
	[sflag:s22] =	ssyncset.done $0x0  }
0x97: {  	s25 =	simm.s32 $0xBC00;
	s26 =	simm.s32 $0xDC00;
	[sflag:s22] =	ssyncadd.s32 $0xFFFFE000  }
0x98: {  	[hbm4b:s30+s3] =	stream.linear.scatter [tilespmem:s11], [sflag:$0x14], $0x2000, $0x38;
	[tilespmem:$0x15C00] =	vst v63  }
.LBB2_2:
0x99: {  	p0 =	sne.s32 s16, $0x800  }
.Ltmp4:
0x9a: {  	_ = 	snop;
	(pc) =	sbr.rel @p0 .LBB2_4-.Ltmp4, $1  }
0x9b: {  	_ =	sdelay $0x3  }
0x9c: {  	[tilespmem:s24], [sflag:$0x1] =	stream.indirect.gather [hbm4b:s1+s15], $0x80, s3, s15, $0xb8;
	[tilespmem:$0x15C00] =	vst v63  }
0x9d: {  	_ = 	snop  }
0x9e: {  	[tilespmem:s17], [sflag:$0x2] =	stream.indirect.gather [hbm4b:s1+s15], $0x80, s15, s15, $0xb8;
	[tilespmem:$0x15C00] =	vst v63  }
0x9f: {  	s9 =	simm.s32 $0x80  }
0xa0: {  	[tilespmem:s19], [sflag:$0x3] =	stream.indirect.gather [hbm4b:s1+s15], $0x80, s9, s15, $0xb8;
	[tilespmem:$0x15C00] =	vst v63  }
0xa1: {  	s24 =	simm.s32 $0x140;
	s0 =	simm.s32 $0x200;
	s19 =	simm.s32 $0xC0  }
0xa2: {  	[tilespmem:s21], [sflag:$0x4] =	stream.indirect.gather [hbm4b:s1+s15], $0x80, s19, s15, $0xb8;
	[tilespmem:$0x15C00] =	vst v63  }
0xa3: {  	s30 =	simm.s32 $0xDC00;
	s10 =	simm.s32 $0x10000;
	s21 =	simm.s32 $0x100  }
0xa4: {  	[tilespmem:s23], [sflag:$0x5] =	stream.indirect.gather [hbm4b:s1+s15], $0x80, s21, s15, $0xb8;
	[tilespmem:$0x15C00] =	vst v63  }
0xa5: {  	s2 =	simm.s32 $0x11C00;
	s17 =	simm.s32 $0x1C00;
	s9 =	simm.s32 $0x20000  }
0xa6: {  	[tilespmem:s25], [sflag:$0x6] =	stream.indirect.gather [hbm4b:s1+s15], $0x80, s24, s15, $0xb8;
	[tilespmem:$0x15C00] =	vst v63  }
0xa7: {  	s19 =	simm.s32 $0x3C00;
	s23 =	simm.s32 $0x7C00;
	s25 =	simm.s32 $0x180  }
0xa8: {  	[tilespmem:s26], [sflag:$0x7] =	stream.indirect.gather [hbm4b:s1+s15], $0x80, s25, s15, $0xb8;
	[tilespmem:$0x15C00] =	vst v63  }
.Ltmp5:
0xa9: {  	s21 =	simm.s32 $0x5C00;
	s26 =	simm.s32 $0x1C0;
	(pc) =	sbr.rel .LBB2_5-.Ltmp5, $4  }
0xaa: {  	[tilespmem:s28], [sflag:$0x8] =	stream.indirect.gather [hbm4b:s1+s15], $0x80, s26, s15, $0xb8;
	[tilespmem:$0x15C00] =	vst v63  }
0xab: {  	s24 =	simm.s32 $0x40000;
	s25 =	simm.s32 $0x9C00;
	s28 =	simm.s32 $0xBC00  }
0xac: {  	[tilespmem:s29], [sflag:$0x9] =	stream.indirect.gather [hbm4b:s1+s15], $0x80, s0, s15, $0xb8;
	[tilespmem:$0x15C00] =	vst v63  }
0xad: {  	s26 =	simm.s32 $0x30000;
	s0 =	simm.s32 $0xFC00;
	s29 =	simm.s32 $0x800  }
.LBB2_7:
0xae: {  	_ =	sfence.sel $0x180000  }
0xaf: {  	[bflag:$0x0] =	sbarrier.arrive $0xFFFF  }
0xb0: {  	_ =	strace $0x90000047  }
0xb1: {  	s0 =	stileid.u32;
	[bflag:$0x2] =	sbarrier.arrive $0xFFFF  }
0xb2: {  	p0 =	sne.s32 s0, $0x0;
	s0 =	rddreg [dreg:$0x3]  }
0xb3: {  	s0 =	sadd.s32 @!p0 $0x100000, s0  }
0xb4: {  	[sflag:s0] =	ssyncadd.tile.s32 @!p0 $0x1;
	_ =	shalt  }
.Lfunc_end2:
_tile_overlayer_lowered:
.L_overlay_start_2:
0xb5: {  	(tag) =	ssettag $0x2  }
0xb6: {  	s0 =	rddreg [dreg:$0x0];
	s2 =	stileid.u32  }
0xb7: {  	s1 =	rddreg [dreg:$0x1];
	p0 =	sne.s32 s2, $0x0  }
0xb8: {  	s3 =	rddreg [dreg:$0x2];
	[bflag:$0x3] =	sbarrier.arrive $0xFFFF;
	s2 =	simm.s32 @!p0 $0x1C15  }
0xb9: {  	[timem:s3], [sflag:s2] =	dma.local @!p0 [hbm:s0], s1  }
0xba: {  	s0 =	simm.s32 @!p0 $0x15  }
0xbb: {  	_ =	swait.ge @!p0 [sflag:s0], s1  }
0xbc: {  	s1 =	ssub.s32 @!p0 $0x0, s1;
	[sflag:s0] =	ssyncset.done @!p0 $0x0  }
0xbd: {  	[sflag:s0] =	ssyncadd.s32 @!p0 s1  }
0xbe: {  	[bflag:$0x3] =	sbarrier.arrive $0xFFFF  }
0xbf: {  	_ =	shalt  }

</sc_bundles>
